<compile_context>
chip_gen: v7x
topology: tpu7x:2x2x1
jax: 0.10.2.dev20260603
libtpu: 0.0.44.dev20260713+nightly
codegen_flags: <defaults>
</compile_context>

<pallas_src>
import functools

import jax
import jax.numpy as jnp
from jax import lax
from jax.experimental import pallas as pl
from jax.experimental.pallas import tpu as pltpu
from jax.experimental.pallas import tpu_sc as plsc

N_USERS = 25000
N_NODES = 50000
E = 800000
IN_CH = 64
HID = 128
OUT = 64

NT = 16
ROWS = 50048
RPT = ROWS // NT
CHUNK = 384
GC = 132
EPT = CHUNK * GC
E_PAD = EPT * NT
HALF = 32

_MESH = plsc.VectorSubcoreMesh(core_axis_name="c", subcore_axis_name="s")

NW = 2 * NT
GC2 = E_PAD // (CHUNK * NW)


_NB = 2


def _sc_pass_body(table, s_st, d2, z32, out2, acc, *scr):
    sis = (scr[0:_NB], scr[_NB:2 * _NB])
    dis = (scr[2 * _NB:3 * _NB], scr[3 * _NB:4 * _NB])
    rows = scr[4 * _NB:5 * _NB]
    gis = scr[5 * _NB:6 * _NB]
    gss = scr[6 * _NB:7 * _NB]
    gr = scr[7 * _NB]

    c = lax.axis_index("c")
    t = lax.axis_index("s")
    tslice = pl.ds(t * RPT, RPT)

    pltpu.sync_copy(z32, acc.at[tslice])
    plsc.subcore_barrier()

    NR = GC // _NB
    base = t * GC
    for b in range(_NB):
        pltpu.async_copy(s_st.at[c, base + b], sis[0][b], gis[b])
        pltpu.async_copy(d2.at[base + b], dis[0][b], gis[b])

    def round_(i, ii, ph, first, last):
        rb = base + _NB * i
        sc_, dc = sis[ph], dis[ph]
        sp, dp = sis[1 - ph], dis[1 - ph]
        gdescs = []
        for b in range(_NB):
            pltpu.make_async_copy(s_st.at[c, rb + b], sc_[b], gis[b]).wait()
            pltpu.make_async_copy(d2.at[rb + b], dc[b], gis[b]).wait()

            def drain_s():
                pltpu.make_async_copy(rows[b], acc.at[dp[b]], gss[b]).wait()
            if first is None:
                drain_s()
            else:
                pl.when(jnp.logical_not(first))(drain_s)

            def pref():
                rb2 = rb + _NB
                pltpu.async_copy(s_st.at[c, rb2 + b], sp[b], gis[b])
                pltpu.async_copy(d2.at[rb2 + b], dp[b], gis[b])
            if last is None:
                pref()
            else:
                pl.when(jnp.logical_not(last))(pref)

            gdescs.append(pltpu.async_copy(table.at[sc_[b]], rows[b], gr))
        for b in range(_NB):
            gdescs[b].wait()
            pltpu.async_copy(rows[b], acc.at[dc[b]], gss[b], add=True)

    @pl.loop(0, NR // 2)
    def _(ii):
        i = 2 * ii
        round_(i, ii, 0, first=(ii == 0), last=None)
        round_(i + 1, ii, 1, first=None, last=(ii == NR // 2 - 1))

    for b in range(_NB):
        pltpu.make_async_copy(rows[b], acc.at[dis[1][b]], gss[b]).wait()

    plsc.subcore_barrier()
    pltpu.sync_copy(acc.at[tslice], out2.at[c, tslice])


_sc_pass = pl.kernel(
    _sc_pass_body,
    out_type=[jax.ShapeDtypeStruct((2, ROWS, HALF), jnp.float32)],
    mesh=_MESH,
    scratch_types=(
        [pltpu.VMEM_SHARED((ROWS, HALF), jnp.float32)]
        + [pltpu.VMEM((CHUNK,), jnp.int32) for _ in range(4 * _NB)]
        + [pltpu.VMEM((CHUNK, HALF), jnp.float32) for _ in range(_NB)]
        + [pltpu.SemaphoreType.DMA for _ in range(2 * _NB + 1)]
    ),
    compiler_params=pltpu.CompilerParams(use_tc_tiling_on_sc=False),
    name="sage_seg_sum",
)


def _sc_count_body(d2, z16, o16, cntout, cnt, di0, di1, ones_v, gi0, gi1,
                   gs0, gs1):
    c = lax.axis_index("c")
    t = lax.axis_index("s")
    tslice = pl.ds(t * RPT, RPT)

    pltpu.sync_copy(z16, cnt.at[tslice])
    pltpu.sync_copy(o16, ones_v)
    plsc.subcore_barrier()

    dis = (di0, di1)
    gis = (gi0, gi1)
    gss = (gs0, gs1)
    base = t * GC2 if NT == 16 else 0
    base = (c * NT + t) * GC2

    pltpu.async_copy(d2.at[base], dis[0], gis[0])

    def round_(i, ph, first, last):
        pltpu.make_async_copy(d2.at[base + i], dis[ph], gis[ph]).wait()

        def drain_s():
            pltpu.make_async_copy(ones_v, cnt.at[dis[1 - ph]],
                                  gss[1 - ph]).wait()
        if first is None:
            drain_s()
        else:
            pl.when(jnp.logical_not(first))(drain_s)

        def pref():
            pltpu.async_copy(d2.at[base + i + 1], dis[1 - ph], gis[1 - ph])
        if last is None:
            pref()
        else:
            pl.when(jnp.logical_not(last))(pref)

        pltpu.async_copy(ones_v, cnt.at[dis[ph]], gss[ph], add=True)

    @pl.loop(0, GC2 // 2)
    def _(ii):
        i = 2 * ii
        round_(i, 0, first=(ii == 0), last=None)
        round_(i + 1, 1, first=None, last=(ii == GC2 // 2 - 1))

    pltpu.make_async_copy(ones_v, cnt.at[dis[1]], gss[1]).wait()

    plsc.subcore_barrier()
    pltpu.sync_copy(cnt.at[tslice], cntout.at[c, tslice])


_sc_count = pl.kernel(
    _sc_count_body,
    out_type=[jax.ShapeDtypeStruct((2, ROWS, 16), jnp.float32)],
    mesh=_MESH,
    scratch_types=[
        pltpu.VMEM_SHARED((ROWS, 16), jnp.float32),
        pltpu.VMEM((CHUNK,), jnp.int32),
        pltpu.VMEM((CHUNK,), jnp.int32),
        pltpu.VMEM((CHUNK, 16), jnp.float32),
        pltpu.SemaphoreType.DMA,
        pltpu.SemaphoreType.DMA,
        pltpu.SemaphoreType.DMA,
        pltpu.SemaphoreType.DMA,
    ],
    compiler_params=pltpu.CompilerParams(use_tc_tiling_on_sc=False),
    name="sage_seg_count",
)


_BT = 3128
_TCGRID = ROWS // _BT


def _tc1_body(agg_ref, cnt_ref, x_ref, wl1_ref, bl1_ref, wr1_ref, wl2_ref,
              h1_ref, y2_ref):
    inv = 1.0 / jnp.maximum(cnt_ref[0, :, 0:1] + cnt_ref[1, :, 0:1], 1.0)
    mean = jnp.concatenate([agg_ref[0], agg_ref[1]], axis=1) * inv
    pre = (jnp.dot(mean, wl1_ref[...], preferred_element_type=jnp.float32)
           + bl1_ref[...]
           + jnp.dot(x_ref[...], wr1_ref[...], preferred_element_type=jnp.float32))
    h1 = jnp.maximum(pre, 0.0)
    h1_ref[...] = h1
    y = jnp.dot(h1, wl2_ref[...], preferred_element_type=jnp.float32)
    y2_ref[0] = y[:, :HALF]
    y2_ref[1] = y[:, HALF:]


_tc1 = pl.pallas_call(
    _tc1_body,
    grid=(_TCGRID,),
    in_specs=[
        pl.BlockSpec((2, _BT, HALF), lambda i: (0, i, 0)),
        pl.BlockSpec((2, _BT, 16), lambda i: (0, i, 0)),
        pl.BlockSpec((_BT, IN_CH), lambda i: (i, 0)),
        pl.BlockSpec((IN_CH, HID), lambda i: (0, 0)),
        pl.BlockSpec((1, HID), lambda i: (0, 0)),
        pl.BlockSpec((IN_CH, HID), lambda i: (0, 0)),
        pl.BlockSpec((HID, OUT), lambda i: (0, 0)),
    ],
    out_specs=[
        pl.BlockSpec((_BT, HID), lambda i: (i, 0)),
        pl.BlockSpec((2, _BT, HALF), lambda i: (0, i, 0)),
    ],
    out_shape=[
        jax.ShapeDtypeStruct((ROWS, HID), jnp.float32),
        jax.ShapeDtypeStruct((2, ROWS, HALF), jnp.float32),
    ],
)


def _tc2_body(agg_ref, cnt_ref, h1_ref, wr2_ref, bl2_ref, out_ref):
    inv = 1.0 / jnp.maximum(cnt_ref[0, :, 0:1] + cnt_ref[1, :, 0:1], 1.0)
    mean = jnp.concatenate([agg_ref[0], agg_ref[1]], axis=1) * inv
    out_ref[...] = (mean + bl2_ref[...]
                    + jnp.dot(h1_ref[...], wr2_ref[...],
                              preferred_element_type=jnp.float32))


_tc2 = pl.pallas_call(
    _tc2_body,
    grid=(_TCGRID,),
    in_specs=[
        pl.BlockSpec((2, _BT, HALF), lambda i: (0, i, 0)),
        pl.BlockSpec((2, _BT, 16), lambda i: (0, i, 0)),
        pl.BlockSpec((_BT, HID), lambda i: (i, 0)),
        pl.BlockSpec((HID, OUT), lambda i: (0, 0)),
        pl.BlockSpec((1, OUT), lambda i: (0, 0)),
    ],
    out_specs=pl.BlockSpec((_BT, OUT), lambda i: (i, 0)),
    out_shape=jax.ShapeDtypeStruct((ROWS, OUT), jnp.float32),
)


@jax.jit
def kernel(edge_index, user_emb, movie_emb, Wl1, bl1, Wr1, Wl2, bl2, Wr2):
    f32 = jnp.float32
    src = edge_index[0]
    dst = edge_index[1]

    npad = E_PAD - E
    ar = jnp.arange(npad, dtype=jnp.int32)
    src_p = jnp.concatenate([src, (ar * 997) % N_NODES])
    dst_p = jnp.concatenate([dst, N_NODES + (ar % (ROWS - N_NODES))])
    src2a = src_p.reshape(-1, CHUNK)
    dst2 = dst_p.reshape(-1, CHUNK)

    x = jnp.concatenate(
        [user_emb, movie_emb, jnp.zeros((ROWS - N_NODES, IN_CH), f32)], axis=0)
    x2 = jnp.stack([x[:, :HALF], x[:, HALF:]]).reshape(2 * ROWS, HALF)

    z32 = jnp.zeros((RPT, HALF), f32)
    z16 = jnp.zeros((RPT, 16), f32)
    o16 = jnp.ones((CHUNK, 16), f32)

    s_st = jnp.stack([src2a, src2a + ROWS])
    (cnt8,) = _sc_count(dst2, z16, o16)
    (agg1,) = _sc_pass(x2, s_st, dst2, z32)
    h1, y2 = _tc1(agg1, cnt8, x, Wl1.T, bl1.reshape(1, -1), Wr1.T, Wl2.T)
    (agg2,) = _sc_pass(y2.reshape(2 * ROWS, HALF), s_st, dst2, z32)
    out = _tc2(agg2, cnt8, h1, Wr2.T, bl2.reshape(1, -1))
    return out[:N_USERS], out[N_USERS:N_NODES]

# --- scband reference (transcript-rebuilt; emitter-appended) ---
"""Pipeline reference for scband-graph-sagerecommender-64819646431531 (READ-ONLY COPY).

The authoritative reference and input builder live on the scoring server;
editing this copy changes nothing except your own understanding.
"""

import jax, jax.numpy as jnp
import numpy as np

N_USERS = 25000
N_MOVIES = 25000
N_NODES = N_USERS + N_MOVIES
E = 800000
IN_CH = 64
HID = 128
OUT = 64


def _xavier(key, shape):
    fan_in, fan_out = shape[1], shape[0]
    scale = np.sqrt(6.0 / (fan_in + fan_out))
    return jax.random.uniform(key, shape, dtype=jnp.float32, minval=-scale, maxval=scale)


def setup_inputs(seed: int = 0) -> dict:
    key = jax.random.key(seed)
    ks = jax.random.split(key, 10)
    edge_index = jax.random.randint(ks[0], (2, E), 0, N_NODES, dtype=jnp.int32)
    user_emb = _xavier(ks[1], (N_USERS, IN_CH))
    movie_emb = _xavier(ks[2], (N_MOVIES, IN_CH))
    # SAGEConv layer 1: in=64 -> out=128 (lin_l with bias on aggregated msgs, lin_r no bias on root)
    Wl1 = _xavier(ks[3], (HID, IN_CH))
    bl1 = jnp.zeros((HID,), dtype=jnp.float32)
    Wr1 = _xavier(ks[4], (HID, IN_CH))
    # SAGEConv layer 2: in=128 -> out=64
    Wl2 = _xavier(ks[5], (OUT, HID))
    bl2 = jnp.zeros((OUT,), dtype=jnp.float32)
    Wr2 = _xavier(ks[6], (OUT, HID))
    return {"edge_index": edge_index, "user_emb": user_emb, "movie_emb": movie_emb,
            "Wl1": Wl1, "bl1": bl1, "Wr1": Wr1, "Wl2": Wl2, "bl2": bl2, "Wr2": Wr2}


def _sage_conv(x, src, dst, Wl, bl, Wr):
    # message: gather source node features
    msg = jnp.take(x, src, axis=0)
    # mean aggregation by destination node
    agg = jax.ops.segment_sum(msg, dst, num_segments=N_NODES)
    cnt = jax.ops.segment_sum(jnp.ones((src.shape[0], 1), dtype=x.dtype), dst, num_segments=N_NODES)
    agg = agg / jnp.maximum(cnt, 1.0)
    return agg @ Wl.T + bl + x @ Wr.T


def reference(edge_index, user_emb, movie_emb, Wl1, bl1, Wr1, Wl2, bl2, Wr2):
    src = edge_index[0]
    dst = edge_index[1]
    x = jnp.concatenate([user_emb, movie_emb], axis=0)
    x = _sage_conv(x, src, dst, Wl1, bl1, Wr1)
    x = jax.nn.relu(x)
    # dropout is identity in eval mode
    x = _sage_conv(x, src, dst, Wl2, bl2, Wr2)
    user_embs = x[:N_USERS]
    movie_embs = x[N_USERS:]
    return (user_embs, movie_embs)

if __name__ == "__main__":
    import jax
    _d = setup_inputs()
    print(jax.jit(kernel)(*tuple(_d.values())))

</pallas_src>

<mosaic_0001>
#map = affine_map<(d0, d1) -> (0, 0)>
#map1 = affine_map<(d0, d1) -> (0, 0, 0)>
module attributes {stable_mosaic.version = 14 : i64} {
  func.func @sage_seg_sum(%arg0: i32, %arg1: i32, %arg2: memref<100096x32xf32, #tpu.memory_space<hbm>>, %arg3: memref<2x2112x384xi32, #tpu.memory_space<hbm>>, %arg4: memref<2112x384xi32, #tpu.memory_space<hbm>>, %arg5: memref<3128x32xf32, #tpu.memory_space<hbm>>, %arg6: memref<2x50048x32xf32, #tpu.memory_space<hbm>>, %arg7: memref<50048x32xf32, #tpu.memory_space<vmem_shared>>, %arg8: memref<384xi32, #tpu.memory_space<vmem>>, %arg9: memref<384xi32, #tpu.memory_space<vmem>>, %arg10: memref<384xi32, #tpu.memory_space<vmem>>, %arg11: memref<384xi32, #tpu.memory_space<vmem>>, %arg12: memref<384xi32, #tpu.memory_space<vmem>>, %arg13: memref<384xi32, #tpu.memory_space<vmem>>, %arg14: memref<384xi32, #tpu.memory_space<vmem>>, %arg15: memref<384xi32, #tpu.memory_space<vmem>>, %arg16: memref<384x32xf32, #tpu.memory_space<vmem>>, %arg17: memref<384x32xf32, #tpu.memory_space<vmem>>, %arg18: memref<!tpu.dma_semaphore, #tpu.memory_space<semaphore_mem>>, %arg19: memref<!tpu.dma_semaphore, #tpu.memory_space<semaphore_mem>>, %arg20: memref<!tpu.dma_semaphore, #tpu.memory_space<semaphore_mem>>, %arg21: memref<!tpu.dma_semaphore, #tpu.memory_space<semaphore_mem>>, %arg22: memref<!tpu.dma_semaphore, #tpu.memory_space<semaphore_mem>>) attributes {dimension_semantics = [#tpu.dimension_semantics<core_parallel>, #tpu.dimension_semantics<subcore_parallel>], iteration_bounds = array<i64: 2, 16>, scalar_prefetch = 0 : i64, scratch_operands = 16 : i64, tpu.core_type = #tpu.core_type<sc_vector_subcore>, window_params = [{transform_indices = #map}, {transform_indices = #map1}, {transform_indices = #map}, {transform_indices = #map}, {transform_indices = #map1}]} {
    %mul3A = arith.constant 3128 : i32
    %mul3A_0 = arith.muli %arg1, %mul3A : i32
    "tpu.region"() ({
      %run_scoped3A = tpu.sem_alloc : memref<!tpu.dma_semaphore, #tpu.memory_space<semaphore_mem>>
      %dma_start3A_43 = arith.constant 0 : i32
      %dma_start3A_44 = tpu.memref_slice %arg7[%mul3A_0, %dma_start3A_43] : memref<50048x32xf32, #tpu.memory_space<vmem_shared>> -> memref<3128x32xf32, #tpu.memory_space<vmem_shared>>
      tpu.enqueue_dma source(%arg5 : memref<3128x32xf32, #tpu.memory_space<hbm>>) target(%dma_start3A_44 : memref<3128x32xf32, #tpu.memory_space<vmem_shared>>) target_semaphore(%run_scoped3A : memref<!tpu.dma_semaphore, #tpu.memory_space<semaphore_mem>>)
      %dma_wait3A_45 = arith.constant 0 : i32
      %dma_wait3A_46 = tpu.memref_slice %arg7[%mul3A_0, %dma_wait3A_45] : memref<50048x32xf32, #tpu.memory_space<vmem_shared>> -> memref<3128x32xf32, #tpu.memory_space<vmem_shared>>
      tpu.wait_dma2 semaphore(%run_scoped3A : memref<!tpu.dma_semaphore, #tpu.memory_space<semaphore_mem>>) src(%arg5 : memref<3128x32xf32, #tpu.memory_space<hbm>>) dst(%dma_wait3A_46 : memref<3128x32xf32, #tpu.memory_space<vmem_shared>>)
      tpu.yield
    }) : () -> ()
    %barrier3A = arith.constant 0 : index
    tpu.barrier barrier_id(%barrier3A)
    %mul3A_1 = arith.constant 132 : i32
    %mul3A_2 = arith.muli %arg1, %mul3A_1 : i32
    %add3A = arith.constant 0 : i32
    %add3A_3 = arith.addi %mul3A_2, %add3A : i32
    %dma_start3A = arith.constant 0 : i32
    %dma_start3A_4 = tpu.memref_slice %arg3[%arg0, %add3A_3, %dma_start3A] : memref<2x2112x384xi32, #tpu.memory_space<hbm>> -> memref<1x1x384xi32, #tpu.memory_space<hbm>>
    %dma_start3A_5 = tpu.memref_squeeze %dma_start3A_4 : memref<1x1x384xi32, #tpu.memory_space<hbm>> -> memref<384xi32, #tpu.memory_space<hbm>>
    %dma_start3A_6 = arith.constant 0 : i32
    %dma_start3A_7 = tpu.memref_slice %arg3[%arg0, %add3A_3, %dma_start3A_6] : memref<2x2112x384xi32, #tpu.memory_space<hbm>> -> memref<1x1x384xi32, #tpu.memory_space<hbm>>
    %dma_start3A_8 = tpu.memref_squeeze %dma_start3A_7 : memref<1x1x384xi32, #tpu.memory_space<hbm>> -> memref<384xi32, #tpu.memory_space<hbm>>
    tpu.enqueue_dma source(%dma_start3A_8 : memref<384xi32, #tpu.memory_space<hbm>>) target(%arg8 : memref<384xi32, #tpu.memory_space<vmem>>) target_semaphore(%arg18 : memref<!tpu.dma_semaphore, #tpu.memory_space<semaphore_mem>>)
    %add3A_9 = arith.constant 0 : i32
    %add3A_10 = arith.addi %mul3A_2, %add3A_9 : i32
    %dma_start3A_11 = arith.constant 0 : i32
    %dma_start3A_12 = tpu.memref_slice %arg4[%add3A_10, %dma_start3A_11] : memref<2112x384xi32, #tpu.memory_space<hbm>> -> memref<1x384xi32, #tpu.memory_space<hbm>>
    %dma_start3A_13 = tpu.memref_squeeze %dma_start3A_12 : memref<1x384xi32, #tpu.memory_space<hbm>> -> memref<384xi32, #tpu.memory_space<hbm>>
    %dma_start3A_14 = arith.constant 0 : i32
    %dma_start3A_15 = tpu.memref_slice %arg4[%add3A_10, %dma_start3A_14] : memref<2112x384xi32, #tpu.memory_space<hbm>> -> memref<1x384xi32, #tpu.memory_space<hbm>>
    %dma_start3A_16 = tpu.memref_squeeze %dma_start3A_15 : memref<1x384xi32, #tpu.memory_space<hbm>> -> memref<384xi32, #tpu.memory_space<hbm>>
    tpu.enqueue_dma source(%dma_start3A_16 : memref<384xi32, #tpu.memory_space<hbm>>) target(%arg12 : memref<384xi32, #tpu.memory_space<vmem>>) target_semaphore(%arg18 : memref<!tpu.dma_semaphore, #tpu.memory_space<semaphore_mem>>)
    %add3A_17 = arith.constant 1 : i32
    %add3A_18 = arith.addi %mul3A_2, %add3A_17 : i32
    %dma_start3A_19 = arith.constant 0 : i32
    %dma_start3A_20 = tpu.memref_slice %arg3[%arg0, %add3A_18, %dma_start3A_19] : memref<2x2112x384xi32, #tpu.memory_space<hbm>> -> memref<1x1x384xi32, #tpu.memory_space<hbm>>
    %dma_start3A_21 = tpu.memref_squeeze %dma_start3A_20 : memref<1x1x384xi32, #tpu.memory_space<hbm>> -> memref<384xi32, #tpu.memory_space<hbm>>
    %dma_start3A_22 = arith.constant 0 : i32
    %dma_start3A_23 = tpu.memref_slice %arg3[%arg0, %add3A_18, %dma_start3A_22] : memref<2x2112x384xi32, #tpu.memory_space<hbm>> -> memref<1x1x384xi32, #tpu.memory_space<hbm>>
    %dma_start3A_24 = tpu.memref_squeeze %dma_start3A_23 : memref<1x1x384xi32, #tpu.memory_space<hbm>> -> memref<384xi32, #tpu.memory_space<hbm>>
    tpu.enqueue_dma source(%dma_start3A_24 : memref<384xi32, #tpu.memory_space<hbm>>) target(%arg9 : memref<384xi32, #tpu.memory_space<vmem>>) target_semaphore(%arg19 : memref<!tpu.dma_semaphore, #tpu.memory_space<semaphore_mem>>)
    %add3A_25 = arith.constant 1 : i32
    %add3A_26 = arith.addi %mul3A_2, %add3A_25 : i32
    %dma_start3A_27 = arith.constant 0 : i32
    %dma_start3A_28 = tpu.memref_slice %arg4[%add3A_26, %dma_start3A_27] : memref<2112x384xi32, #tpu.memory_space<hbm>> -> memref<1x384xi32, #tpu.memory_space<hbm>>
    %dma_start3A_29 = tpu.memref_squeeze %dma_start3A_28 : memref<1x384xi32, #tpu.memory_space<hbm>> -> memref<384xi32, #tpu.memory_space<hbm>>
    %dma_start3A_30 = arith.constant 0 : i32
    %dma_start3A_31 = tpu.memref_slice %arg4[%add3A_26, %dma_start3A_30] : memref<2112x384xi32, #tpu.memory_space<hbm>> -> memref<1x384xi32, #tpu.memory_space<hbm>>
    %dma_start3A_32 = tpu.memref_squeeze %dma_start3A_31 : memref<1x384xi32, #tpu.memory_space<hbm>> -> memref<384xi32, #tpu.memory_space<hbm>>
    tpu.enqueue_dma source(%dma_start3A_32 : memref<384xi32, #tpu.memory_space<hbm>>) target(%arg13 : memref<384xi32, #tpu.memory_space<vmem>>) target_semaphore(%arg19 : memref<!tpu.dma_semaphore, #tpu.memory_space<semaphore_mem>>)
    %scan3A = arith.constant 0 : i32
    %scan3A_33 = arith.constant 33 : i32
    %scan3A_34 = arith.addi %scan3A, %scan3A_33 : i32
    %scan3A_35 = arith.constant 1 : i32
    scf.for %scan3A_43 = %scan3A to %scan3A_34 step %scan3A_35  : i32 {
      %mul3A_44 = arith.constant 1 : i32
      %mul3A_45 = arith.muli %scan3A_43, %mul3A_44 : i32
      %add3A_46 = arith.constant 0 : i32
      %add3A_47 = arith.addi %add3A_46, %mul3A_45 : i32
      %mul3A_48 = arith.constant 2 : i32
      %mul3A_49 = arith.muli %mul3A_48, %add3A_47 : i32
      %eq3A = arith.constant 0 : i32
      %eq3A_50 = arith.cmpi eq, %add3A_47, %eq3A : i32
      %mul3A_51 = arith.constant 2 : i32
      %mul3A_52 = arith.muli %mul3A_51, %mul3A_49 : i32
      %add3A_53 = arith.addi %mul3A_2, %mul3A_52 : i32
      %add3A_54 = arith.constant 0 : i32
      %add3A_55 = arith.addi %add3A_53, %add3A_54 : i32
      %dma_wait3A_56 = arith.constant 0 : i32
      %dma_wait3A_57 = tpu.memref_slice %arg3[%arg0, %add3A_55, %dma_wait3A_56] : memref<2x2112x384xi32, #tpu.memory_space<hbm>> -> memref<1x1x384xi32, #tpu.memory_space<hbm>>
      %dma_wait3A_58 = tpu.memref_squeeze %dma_wait3A_57 : memref<1x1x384xi32, #tpu.memory_space<hbm>> -> memref<384xi32, #tpu.memory_space<hbm>>
      %dma_wait3A_59 = arith.constant 0 : i32
      %dma_wait3A_60 = tpu.memref_slice %arg3[%arg0, %add3A_55, %dma_wait3A_59] : memref<2x2112x384xi32, #tpu.memory_space<hbm>> -> memref<1x1x384xi32, #tpu.memory_space<hbm>>
      %dma_wait3A_61 = tpu.memref_squeeze %dma_wait3A_60 : memref<1x1x384xi32, #tpu.memory_space<hbm>> -> memref<384xi32, #tpu.memory_space<hbm>>
      tpu.wait_dma2 semaphore(%arg18 : memref<!tpu.dma_semaphore, #tpu.memory_space<semaphore_mem>>) src(%dma_wait3A_61 : memref<384xi32, #tpu.memory_space<hbm>>) dst(%arg8 : memref<384xi32, #tpu.memory_space<vmem>>)
      %add3A_62 = arith.constant 0 : i32
      %add3A_63 = arith.addi %add3A_53, %add3A_62 : i32
      %dma_wait3A_64 = arith.constant 0 : i32
      %dma_wait3A_65 = tpu.memref_slice %arg4[%add3A_63, %dma_wait3A_64] : memref<2112x384xi32, #tpu.memory_space<hbm>> -> memref<1x384xi32, #tpu.memory_space<hbm>>
      %dma_wait3A_66 = tpu.memref_squeeze %dma_wait3A_65 : memref<1x384xi32, #tpu.memory_space<hbm>> -> memref<384xi32, #tpu.memory_space<hbm>>
      %dma_wait3A_67 = arith.constant 0 : i32
      %dma_wait3A_68 = tpu.memref_slice %arg4[%add3A_63, %dma_wait3A_67] : memref<2112x384xi32, #tpu.memory_space<hbm>> -> memref<1x384xi32, #tpu.memory_space<hbm>>
      %dma_wait3A_69 = tpu.memref_squeeze %dma_wait3A_68 : memref<1x384xi32, #tpu.memory_space<hbm>> -> memref<384xi32, #tpu.memory_space<hbm>>
      tpu.wait_dma2 semaphore(%arg18 : memref<!tpu.dma_semaphore, #tpu.memory_space<semaphore_mem>>) src(%dma_wait3A_69 : memref<384xi32, #tpu.memory_space<hbm>>) dst(%arg12 : memref<384xi32, #tpu.memory_space<vmem>>)
      %not3A = arith.constant true
      %not3A_70 = arith.xori %eq3A_50, %not3A : i1
      %convert_element_type3A = arith.extui %not3A_70 : i1 to i32
      %cond3A = arith.constant 0 : i32
      %cond3A_71 = arith.cmpi ne, %convert_element_type3A, %cond3A : i32
      scf.if %cond3A_71 {
        %dma_wait3A_220 = arith.constant 0 : i32
        %dma_wait3A_221 = arith.constant 0 : i32
        %dma_wait3A_222 = tpu.memref_slice %arg7[%dma_wait3A_220, %dma_wait3A_221] : memref<50048x32xf32, #tpu.memory_space<vmem_shared>> -> memref<50048x32xf32, #tpu.memory_space<vmem_shared>>
        tpu.wait_indirect_dma semaphore(%arg20 : memref<!tpu.dma_semaphore, #tpu.memory_space<semaphore_mem>>) src(%arg16 : memref<384x32xf32, #tpu.memory_space<vmem>>) dst(%dma_wait3A_222 : memref<50048x32xf32, #tpu.memory_space<vmem_shared>>)
      } else {
      }
      %add3A_72 = arith.constant 2 : i32
      %add3A_73 = arith.addi %add3A_53, %add3A_72 : i32
      %add3A_74 = arith.constant 0 : i32
      %add3A_75 = arith.addi %add3A_73, %add3A_74 : i32
      %dma_start3A_76 = arith.constant 0 : i32
      %dma_start3A_77 = tpu.memref_slice %arg3[%arg0, %add3A_75, %dma_start3A_76] : memref<2x2112x384xi32, #tpu.memory_space<hbm>> -> memref<1x1x384xi32, #tpu.memory_space<hbm>>
      %dma_start3A_78 = tpu.memref_squeeze %dma_start3A_77 : memref<1x1x384xi32, #tpu.memory_space<hbm>> -> memref<384xi32, #tpu.memory_space<hbm>>
      %dma_start3A_79 = arith.constant 0 : i32
      %dma_start3A_80 = tpu.memref_slice %arg3[%arg0, %add3A_75, %dma_start3A_79] : memref<2x2112x384xi32, #tpu.memory_space<hbm>> -> memref<1x1x384xi32, #tpu.memory_space<hbm>>
      %dma_start3A_81 = tpu.memref_squeeze %dma_start3A_80 : memref<1x1x384xi32, #tpu.memory_space<hbm>> -> memref<384xi32, #tpu.memory_space<hbm>>
      tpu.enqueue_dma source(%dma_start3A_81 : memref<384xi32, #tpu.memory_space<hbm>>) target(%arg10 : memref<384xi32, #tpu.memory_space<vmem>>) target_semaphore(%arg18 : memref<!tpu.dma_semaphore, #tpu.memory_space<semaphore_mem>>)
      %add3A_82 = arith.constant 0 : i32
      %add3A_83 = arith.addi %add3A_73, %add3A_82 : i32
      %dma_start3A_84 = arith.constant 0 : i32
      %dma_start3A_85 = tpu.memref_slice %arg4[%add3A_83, %dma_start3A_84] : memref<2112x384xi32, #tpu.memory_space<hbm>> -> memref<1x384xi32, #tpu.memory_space<hbm>>
      %dma_start3A_86 = tpu.memref_squeeze %dma_start3A_85 : memref<1x384xi32, #tpu.memory_space<hbm>> -> memref<384xi32, #tpu.memory_space<hbm>>
      %dma_start3A_87 = arith.constant 0 : i32
      %dma_start3A_88 = tpu.memref_slice %arg4[%add3A_83, %dma_start3A_87] : memref<2112x384xi32, #tpu.memory_space<hbm>> -> memref<1x384xi32, #tpu.memory_space<hbm>>
      %dma_start3A_89 = tpu.memref_squeeze %dma_start3A_88 : memref<1x384xi32, #tpu.memory_space<hbm>> -> memref<384xi32, #tpu.memory_space<hbm>>
      tpu.enqueue_dma source(%dma_start3A_89 : memref<384xi32, #tpu.memory_space<hbm>>) target(%arg14 : memref<384xi32, #tpu.memory_space<vmem>>) target_semaphore(%arg18 : memref<!tpu.dma_semaphore, #tpu.memory_space<semaphore_mem>>)
      %dma_start3A_90 = arith.constant 0 : i32
      %dma_start3A_91 = arith.constant 0 : i32
      %dma_start3A_92 = tpu.memref_slice %arg2[%dma_start3A_90, %dma_start3A_91] : memref<100096x32xf32, #tpu.memory_space<hbm>> -> memref<100096x32xf32, #tpu.memory_space<hbm>>
      tpu.enqueue_indirect_dma source(%dma_start3A_92 : memref<100096x32xf32, #tpu.memory_space<hbm>>) target(%arg16 : memref<384x32xf32, #tpu.memory_space<vmem>>) offsets(%arg8 : memref<384xi32, #tpu.memory_space<vmem>>) semaphore(%arg22 : memref<!tpu.dma_semaphore, #tpu.memory_space<semaphore_mem>>)
      %add3A_93 = arith.constant 1 : i32
      %add3A_94 = arith.addi %add3A_53, %add3A_93 : i32
      %dma_wait3A_95 = arith.constant 0 : i32
      %dma_wait3A_96 = tpu.memref_slice %arg3[%arg0, %add3A_94, %dma_wait3A_95] : memref<2x2112x384xi32, #tpu.memory_space<hbm>> -> memref<1x1x384xi32, #tpu.memory_space<hbm>>
      %dma_wait3A_97 = tpu.memref_squeeze %dma_wait3A_96 : memref<1x1x384xi32, #tpu.memory_space<hbm>> -> memref<384xi32, #tpu.memory_space<hbm>>
      %dma_wait3A_98 = arith.constant 0 : i32
      %dma_wait3A_99 = tpu.memref_slice %arg3[%arg0, %add3A_94, %dma_wait3A_98] : memref<2x2112x384xi32, #tpu.memory_space<hbm>> -> memref<1x1x384xi32, #tpu.memory_space<hbm>>
      %dma_wait3A_100 = tpu.memref_squeeze %dma_wait3A_99 : memref<1x1x384xi32, #tpu.memory_space<hbm>> -> memref<384xi32, #tpu.memory_space<hbm>>
      tpu.wait_dma2 semaphore(%arg19 : memref<!tpu.dma_semaphore, #tpu.memory_space<semaphore_mem>>) src(%dma_wait3A_100 : memref<384xi32, #tpu.memory_space<hbm>>) dst(%arg9 : memref<384xi32, #tpu.memory_space<vmem>>)
      %add3A_101 = arith.constant 1 : i32
      %add3A_102 = arith.addi %add3A_53, %add3A_101 : i32
      %dma_wait3A_103 = arith.constant 0 : i32
      %dma_wait3A_104 = tpu.memref_slice %arg4[%add3A_102, %dma_wait3A_103] : memref<2112x384xi32, #tpu.memory_space<hbm>> -> memref<1x384xi32, #tpu.memory_space<hbm>>
      %dma_wait3A_105 = tpu.memref_squeeze %dma_wait3A_104 : memref<1x384xi32, #tpu.memory_space<hbm>> -> memref<384xi32, #tpu.memory_space<hbm>>
      %dma_wait3A_106 = arith.constant 0 : i32
      %dma_wait3A_107 = tpu.memref_slice %arg4[%add3A_102, %dma_wait3A_106] : memref<2112x384xi32, #tpu.memory_space<hbm>> -> memref<1x384xi32, #tpu.memory_space<hbm>>
      %dma_wait3A_108 = tpu.memref_squeeze %dma_wait3A_107 : memref<1x384xi32, #tpu.memory_space<hbm>> -> memref<384xi32, #tpu.memory_space<hbm>>
      tpu.wait_dma2 semaphore(%arg19 : memref<!tpu.dma_semaphore, #tpu.memory_space<semaphore_mem>>) src(%dma_wait3A_108 : memref<384xi32, #tpu.memory_space<hbm>>) dst(%arg13 : memref<384xi32, #tpu.memory_space<vmem>>)
      %not3A_109 = arith.constant true
      %not3A_110 = arith.xori %eq3A_50, %not3A_109 : i1
      %convert_element_type3A_111 = arith.extui %not3A_110 : i1 to i32
      %cond3A_112 = arith.constant 0 : i32
      %cond3A_113 = arith.cmpi ne, %convert_element_type3A_111, %cond3A_112 : i32
      scf.if %cond3A_113 {
        %dma_wait3A_220 = arith.constant 0 : i32
        %dma_wait3A_221 = arith.constant 0 : i32
        %dma_wait3A_222 = tpu.memref_slice %arg7[%dma_wait3A_220, %dma_wait3A_221] : memref<50048x32xf32, #tpu.memory_space<vmem_shared>> -> memref<50048x32xf32, #tpu.memory_space<vmem_shared>>
        tpu.wait_indirect_dma semaphore(%arg21 : memref<!tpu.dma_semaphore, #tpu.memory_space<semaphore_mem>>) src(%arg17 : memref<384x32xf32, #tpu.memory_space<vmem>>) dst(%dma_wait3A_222 : memref<50048x32xf32, #tpu.memory_space<vmem_shared>>)
      } else {
      }
      %add3A_114 = arith.constant 2 : i32
      %add3A_115 = arith.addi %add3A_53, %add3A_114 : i32
      %add3A_116 = arith.constant 1 : i32
      %add3A_117 = arith.addi %add3A_115, %add3A_116 : i32
      %dma_start3A_118 = arith.constant 0 : i32
      %dma_start3A_119 = tpu.memref_slice %arg3[%arg0, %add3A_117, %dma_start3A_118] : memref<2x2112x384xi32, #tpu.memory_space<hbm>> -> memref<1x1x384xi32, #tpu.memory_space<hbm>>
      %dma_start3A_120 = tpu.memref_squeeze %dma_start3A_119 : memref<1x1x384xi32, #tpu.memory_space<hbm>> -> memref<384xi32, #tpu.memory_space<hbm>>
      %dma_start3A_121 = arith.constant 0 : i32
      %dma_start3A_122 = tpu.memref_slice %arg3[%arg0, %add3A_117, %dma_start3A_121] : memref<2x2112x384xi32, #tpu.memory_space<hbm>> -> memref<1x1x384xi32, #tpu.memory_space<hbm>>
      %dma_start3A_123 = tpu.memref_squeeze %dma_start3A_122 : memref<1x1x384xi32, #tpu.memory_space<hbm>> -> memref<384xi32, #tpu.memory_space<hbm>>
      tpu.enqueue_dma source(%dma_start3A_123 : memref<384xi32, #tpu.memory_space<hbm>>) target(%arg11 : memref<384xi32, #tpu.memory_space<vmem>>) target_semaphore(%arg19 : memref<!tpu.dma_semaphore, #tpu.memory_space<semaphore_mem>>)
      %add3A_124 = arith.constant 1 : i32
      %add3A_125 = arith.addi %add3A_115, %add3A_124 : i32
      %dma_start3A_126 = arith.constant 0 : i32
      %dma_start3A_127 = tpu.memref_slice %arg4[%add3A_125, %dma_start3A_126] : memref<2112x384xi32, #tpu.memory_space<hbm>> -> memref<1x384xi32, #tpu.memory_space<hbm>>
      %dma_start3A_128 = tpu.memref_squeeze %dma_start3A_127 : memref<1x384xi32, #tpu.memory_space<hbm>> -> memref<384xi32, #tpu.memory_space<hbm>>
      %dma_start3A_129 = arith.constant 0 : i32
      %dma_start3A_130 = tpu.memref_slice %arg4[%add3A_125, %dma_start3A_129] : memref<2112x384xi32, #tpu.memory_space<hbm>> -> memref<1x384xi32, #tpu.memory_space<hbm>>
      %dma_start3A_131 = tpu.memref_squeeze %dma_start3A_130 : memref<1x384xi32, #tpu.memory_space<hbm>> -> memref<384xi32, #tpu.memory_space<hbm>>
      tpu.enqueue_dma source(%dma_start3A_131 : memref<384xi32, #tpu.memory_space<hbm>>) target(%arg15 : memref<384xi32, #tpu.memory_space<vmem>>) target_semaphore(%arg19 : memref<!tpu.dma_semaphore, #tpu.memory_space<semaphore_mem>>)
      %dma_start3A_132 = arith.constant 0 : i32
      %dma_start3A_133 = arith.constant 0 : i32
      %dma_start3A_134 = tpu.memref_slice %arg2[%dma_start3A_132, %dma_start3A_133] : memref<100096x32xf32, #tpu.memory_space<hbm>> -> memref<100096x32xf32, #tpu.memory_space<hbm>>
      tpu.enqueue_indirect_dma source(%dma_start3A_134 : memref<100096x32xf32, #tpu.memory_space<hbm>>) target(%arg17 : memref<384x32xf32, #tpu.memory_space<vmem>>) offsets(%arg9 : memref<384xi32, #tpu.memory_space<vmem>>) semaphore(%arg22 : memref<!tpu.dma_semaphore, #tpu.memory_space<semaphore_mem>>)
      %dma_wait3A_135 = arith.constant 0 : i32
      %dma_wait3A_136 = arith.constant 0 : i32
      %dma_wait3A_137 = tpu.memref_slice %arg2[%dma_wait3A_135, %dma_wait3A_136] : memref<100096x32xf32, #tpu.memory_space<hbm>> -> memref<100096x32xf32, #tpu.memory_space<hbm>>
      tpu.wait_indirect_dma semaphore(%arg22 : memref<!tpu.dma_semaphore, #tpu.memory_space<semaphore_mem>>) src(%dma_wait3A_137 : memref<100096x32xf32, #tpu.memory_space<hbm>>) dst(%arg16 : memref<384x32xf32, #tpu.memory_space<vmem>>)
      %dma_start3A_138 = arith.constant 0 : i32
      %dma_start3A_139 = arith.constant 0 : i32
      %dma_start3A_140 = tpu.memref_slice %arg7[%dma_start3A_138, %dma_start3A_139] : memref<50048x32xf32, #tpu.memory_space<vmem_shared>> -> memref<50048x32xf32, #tpu.memory_space<vmem_shared>>
      tpu.enqueue_indirect_dma source(%arg16 : memref<384x32xf32, #tpu.memory_space<vmem>>) target(%dma_start3A_140 : memref<50048x32xf32, #tpu.memory_space<vmem_shared>>) offsets(%arg12 : memref<384xi32, #tpu.memory_space<vmem>>) semaphore(%arg20 : memref<!tpu.dma_semaphore, #tpu.memory_space<semaphore_mem>>) {add = true}
      %dma_wait3A_141 = arith.constant 0 : i32
      %dma_wait3A_142 = arith.constant 0 : i32
      %dma_wait3A_143 = tpu.memref_slice %arg2[%dma_wait3A_141, %dma_wait3A_142] : memref<100096x32xf32, #tpu.memory_space<hbm>> -> memref<100096x32xf32, #tpu.memory_space<hbm>>
      tpu.wait_indirect_dma semaphore(%arg22 : memref<!tpu.dma_semaphore, #tpu.memory_space<semaphore_mem>>) src(%dma_wait3A_143 : memref<100096x32xf32, #tpu.memory_space<hbm>>) dst(%arg17 : memref<384x32xf32, #tpu.memory_space<vmem>>)
      %dma_start3A_144 = arith.constant 0 : i32
      %dma_start3A_145 = arith.constant 0 : i32
      %dma_start3A_146 = tpu.memref_slice %arg7[%dma_start3A_144, %dma_start3A_145] : memref<50048x32xf32, #tpu.memory_space<vmem_shared>> -> memref<50048x32xf32, #tpu.memory_space<vmem_shared>>
      tpu.enqueue_indirect_dma source(%arg17 : memref<384x32xf32, #tpu.memory_space<vmem>>) target(%dma_start3A_146 : memref<50048x32xf32, #tpu.memory_space<vmem_shared>>) offsets(%arg13 : memref<384xi32, #tpu.memory_space<vmem>>) semaphore(%arg21 : memref<!tpu.dma_semaphore, #tpu.memory_space<semaphore_mem>>) {add = true}
      %add3A_147 = arith.constant 1 : i32
      %add3A_148 = arith.addi %mul3A_49, %add3A_147 : i32
      %eq3A_149 = arith.constant 32 : i32
      %eq3A_150 = arith.cmpi eq, %add3A_47, %eq3A_149 : i32
      %mul3A_151 = arith.constant 2 : i32
      %mul3A_152 = arith.muli %mul3A_151, %add3A_148 : i32
      %add3A_153 = arith.addi %mul3A_2, %mul3A_152 : i32
      %add3A_154 = arith.constant 0 : i32
      %add3A_155 = arith.addi %add3A_153, %add3A_154 : i32
      %dma_wait3A_156 = arith.constant 0 : i32
      %dma_wait3A_157 = tpu.memref_slice %arg3[%arg0, %add3A_155, %dma_wait3A_156] : memref<2x2112x384xi32, #tpu.memory_space<hbm>> -> memref<1x1x384xi32, #tpu.memory_space<hbm>>
      %dma_wait3A_158 = tpu.memref_squeeze %dma_wait3A_157 : memref<1x1x384xi32, #tpu.memory_space<hbm>> -> memref<384xi32, #tpu.memory_space<hbm>>
      %dma_wait3A_159 = arith.constant 0 : i32
      %dma_wait3A_160 = tpu.memref_slice %arg3[%arg0, %add3A_155, %dma_wait3A_159] : memref<2x2112x384xi32, #tpu.memory_space<hbm>> -> memref<1x1x384xi32, #tpu.memory_space<hbm>>
      %dma_wait3A_161 = tpu.memref_squeeze %dma_wait3A_160 : memref<1x1x384xi32, #tpu.memory_space<hbm>> -> memref<384xi32, #tpu.memory_space<hbm>>
      tpu.wait_dma2 semaphore(%arg18 : memref<!tpu.dma_semaphore, #tpu.memory_space<semaphore_mem>>) src(%dma_wait3A_161 : memref<384xi32, #tpu.memory_space<hbm>>) dst(%arg10 : memref<384xi32, #tpu.memory_space<vmem>>)
      %add3A_162 = arith.constant 0 : i32
      %add3A_163 = arith.addi %add3A_153, %add3A_162 : i32
      %dma_wait3A_164 = arith.constant 0 : i32
      %dma_wait3A_165 = tpu.memref_slice %arg4[%add3A_163, %dma_wait3A_164] : memref<2112x384xi32, #tpu.memory_space<hbm>> -> memref<1x384xi32, #tpu.memory_space<hbm>>
      %dma_wait3A_166 = tpu.memref_squeeze %dma_wait3A_165 : memref<1x384xi32, #tpu.memory_space<hbm>> -> memref<384xi32, #tpu.memory_space<hbm>>
      %dma_wait3A_167 = arith.constant 0 : i32
      %dma_wait3A_168 = tpu.memref_slice %arg4[%add3A_163, %dma_wait3A_167] : memref<2112x384xi32, #tpu.memory_space<hbm>> -> memref<1x384xi32, #tpu.memory_space<hbm>>
      %dma_wait3A_169 = tpu.memref_squeeze %dma_wait3A_168 : memref<1x384xi32, #tpu.memory_space<hbm>> -> memref<384xi32, #tpu.memory_space<hbm>>
      tpu.wait_dma2 semaphore(%arg18 : memref<!tpu.dma_semaphore, #tpu.memory_space<semaphore_mem>>) src(%dma_wait3A_169 : memref<384xi32, #tpu.memory_space<hbm>>) dst(%arg14 : memref<384xi32, #tpu.memory_space<vmem>>)
      %dma_wait3A_170 = arith.constant 0 : i32
      %dma_wait3A_171 = arith.constant 0 : i32
      %dma_wait3A_172 = tpu.memref_slice %arg7[%dma_wait3A_170, %dma_wait3A_171] : memref<50048x32xf32, #tpu.memory_space<vmem_shared>> -> memref<50048x32xf32, #tpu.memory_space<vmem_shared>>
      tpu.wait_indirect_dma semaphore(%arg20 : memref<!tpu.dma_semaphore, #tpu.memory_space<semaphore_mem>>) src(%arg16 : memref<384x32xf32, #tpu.memory_space<vmem>>) dst(%dma_wait3A_172 : memref<50048x32xf32, #tpu.memory_space<vmem_shared>>)
      %not3A_173 = arith.constant true
      %not3A_174 = arith.xori %eq3A_150, %not3A_173 : i1
      %convert_element_type3A_175 = arith.extui %not3A_174 : i1 to i32
      %cond3A_176 = arith.constant 0 : i32
      %cond3A_177 = arith.cmpi ne, %convert_element_type3A_175, %cond3A_176 : i32
      scf.if %cond3A_177 {
        %add3A_220 = arith.constant 2 : i32
        %add3A_221 = arith.addi %add3A_153, %add3A_220 : i32
        %add3A_222 = arith.constant 0 : i32
        %add3A_223 = arith.addi %add3A_221, %add3A_222 : i32
        %dma_start3A_224 = arith.constant 0 : i32
        %dma_start3A_225 = tpu.memref_slice %arg3[%arg0, %add3A_223, %dma_start3A_224] : memref<2x2112x384xi32, #tpu.memory_space<hbm>> -> memref<1x1x384xi32, #tpu.memory_space<hbm>>
        %dma_start3A_226 = tpu.memref_squeeze %dma_start3A_225 : memref<1x1x384xi32, #tpu.memory_space<hbm>> -> memref<384xi32, #tpu.memory_space<hbm>>
        %dma_start3A_227 = arith.constant 0 : i32
        %dma_start3A_228 = tpu.memref_slice %arg3[%arg0, %add3A_223, %dma_start3A_227] : memref<2x2112x384xi32, #tpu.memory_space<hbm>> -> memref<1x1x384xi32, #tpu.memory_space<hbm>>
        %dma_start3A_229 = tpu.memref_squeeze %dma_start3A_228 : memref<1x1x384xi32, #tpu.memory_space<hbm>> -> memref<384xi32, #tpu.memory_space<hbm>>
        tpu.enqueue_dma source(%dma_start3A_229 : memref<384xi32, #tpu.memory_space<hbm>>) target(%arg8 : memref<384xi32, #tpu.memory_space<vmem>>) target_semaphore(%arg18 : memref<!tpu.dma_semaphore, #tpu.memory_space<semaphore_mem>>)
        %add3A_230 = arith.constant 0 : i32
        %add3A_231 = arith.addi %add3A_221, %add3A_230 : i32
        %dma_start3A_232 = arith.constant 0 : i32
        %dma_start3A_233 = tpu.memref_slice %arg4[%add3A_231, %dma_start3A_232] : memref<2112x384xi32, #tpu.memory_space<hbm>> -> memref<1x384xi32, #tpu.memory_space<hbm>>
        %dma_start3A_234 = tpu.memref_squeeze %dma_start3A_233 : memref<1x384xi32, #tpu.memory_space<hbm>> -> memref<384xi32, #tpu.memory_space<hbm>>
        %dma_start3A_235 = arith.constant 0 : i32
        %dma_start3A_236 = tpu.memref_slice %arg4[%add3A_231, %dma_start3A_235] : memref<2112x384xi32, #tpu.memory_space<hbm>> -> memref<1x384xi32, #tpu.memory_space<hbm>>
        %dma_start3A_237 = tpu.memref_squeeze %dma_start3A_236 : memref<1x384xi32, #tpu.memory_space<hbm>> -> memref<384xi32, #tpu.memory_space<hbm>>
        tpu.enqueue_dma source(%dma_start3A_237 : memref<384xi32, #tpu.memory_space<hbm>>) target(%arg12 : memref<384xi32, #tpu.memory_space<vmem>>) target_semaphore(%arg18 : memref<!tpu.dma_semaphore, #tpu.memory_space<semaphore_mem>>)
      } else {
      }
      %dma_start3A_178 = arith.constant 0 : i32
      %dma_start3A_179 = arith.constant 0 : i32
      %dma_start3A_180 = tpu.memref_slice %arg2[%dma_start3A_178, %dma_start3A_179] : memref<100096x32xf32, #tpu.memory_space<hbm>> -> memref<100096x32xf32, #tpu.memory_space<hbm>>
      tpu.enqueue_indirect_dma source(%dma_start3A_180 : memref<100096x32xf32, #tpu.memory_space<hbm>>) target(%arg16 : memref<384x32xf32, #tpu.memory_space<vmem>>) offsets(%arg10 : memref<384xi32, #tpu.memory_space<vmem>>) semaphore(%arg22 : memref<!tpu.dma_semaphore, #tpu.memory_space<semaphore_mem>>)
      %add3A_181 = arith.constant 1 : i32
      %add3A_182 = arith.addi %add3A_153, %add3A_181 : i32
      %dma_wait3A_183 = arith.constant 0 : i32
      %dma_wait3A_184 = tpu.memref_slice %arg3[%arg0, %add3A_182, %dma_wait3A_183] : memref<2x2112x384xi32, #tpu.memory_space<hbm>> -> memref<1x1x384xi32, #tpu.memory_space<hbm>>
      %dma_wait3A_185 = tpu.memref_squeeze %dma_wait3A_184 : memref<1x1x384xi32, #tpu.memory_space<hbm>> -> memref<384xi32, #tpu.memory_space<hbm>>
      %dma_wait3A_186 = arith.constant 0 : i32
      %dma_wait3A_187 = tpu.memref_slice %arg3[%arg0, %add3A_182, %dma_wait3A_186] : memref<2x2112x384xi32, #tpu.memory_space<hbm>> -> memref<1x1x384xi32, #tpu.memory_space<hbm>>
      %dma_wait3A_188 = tpu.memref_squeeze %dma_wait3A_187 : memref<1x1x384xi32, #tpu.memory_space<hbm>> -> memref<384xi32, #tpu.memory_space<hbm>>
      tpu.wait_dma2 semaphore(%arg19 : memref<!tpu.dma_semaphore, #tpu.memory_space<semaphore_mem>>) src(%dma_wait3A_188 : memref<384xi32, #tpu.memory_space<hbm>>) dst(%arg11 : memref<384xi32, #tpu.memory_space<vmem>>)
      %add3A_189 = arith.constant 1 : i32
      %add3A_190 = arith.addi %add3A_153, %add3A_189 : i32
      %dma_wait3A_191 = arith.constant 0 : i32
      %dma_wait3A_192 = tpu.memref_slice %arg4[%add3A_190, %dma_wait3A_191] : memref<2112x384xi32, #tpu.memory_space<hbm>> -> memref<1x384xi32, #tpu.memory_space<hbm>>
      %dma_wait3A_193 = tpu.memref_squeeze %dma_wait3A_192 : memref<1x384xi32, #tpu.memory_space<hbm>> -> memref<384xi32, #tpu.memory_space<hbm>>
      %dma_wait3A_194 = arith.constant 0 : i32
      %dma_wait3A_195 = tpu.memref_slice %arg4[%add3A_190, %dma_wait3A_194] : memref<2112x384xi32, #tpu.memory_space<hbm>> -> memref<1x384xi32, #tpu.memory_space<hbm>>
      %dma_wait3A_196 = tpu.memref_squeeze %dma_wait3A_195 : memref<1x384xi32, #tpu.memory_space<hbm>> -> memref<384xi32, #tpu.memory_space<hbm>>
      tpu.wait_dma2 semaphore(%arg19 : memref<!tpu.dma_semaphore, #tpu.memory_space<semaphore_mem>>) src(%dma_wait3A_196 : memref<384xi32, #tpu.memory_space<hbm>>) dst(%arg15 : memref<384xi32, #tpu.memory_space<vmem>>)
      %dma_wait3A_197 = arith.constant 0 : i32
      %dma_wait3A_198 = arith.constant 0 : i32
      %dma_wait3A_199 = tpu.memref_slice %arg7[%dma_wait3A_197, %dma_wait3A_198] : memref<50048x32xf32, #tpu.memory_space<vmem_shared>> -> memref<50048x32xf32, #tpu.memory_space<vmem_shared>>
      tpu.wait_indirect_dma semaphore(%arg21 : memref<!tpu.dma_semaphore, #tpu.memory_space<semaphore_mem>>) src(%arg17 : memref<384x32xf32, #tpu.memory_space<vmem>>) dst(%dma_wait3A_199 : memref<50048x32xf32, #tpu.memory_space<vmem_shared>>)
      %not3A_200 = arith.constant true
      %not3A_201 = arith.xori %eq3A_150, %not3A_200 : i1
      %convert_element_type3A_202 = arith.extui %not3A_201 : i1 to i32
      %cond3A_203 = arith.constant 0 : i32
      %cond3A_204 = arith.cmpi ne, %convert_element_type3A_202, %cond3A_203 : i32
      scf.if %cond3A_204 {
        %add3A_220 = arith.constant 2 : i32
        %add3A_221 = arith.addi %add3A_153, %add3A_220 : i32
        %add3A_222 = arith.constant 1 : i32
        %add3A_223 = arith.addi %add3A_221, %add3A_222 : i32
        %dma_start3A_224 = arith.constant 0 : i32
        %dma_start3A_225 = tpu.memref_slice %arg3[%arg0, %add3A_223, %dma_start3A_224] : memref<2x2112x384xi32, #tpu.memory_space<hbm>> -> memref<1x1x384xi32, #tpu.memory_space<hbm>>
        %dma_start3A_226 = tpu.memref_squeeze %dma_start3A_225 : memref<1x1x384xi32, #tpu.memory_space<hbm>> -> memref<384xi32, #tpu.memory_space<hbm>>
        %dma_start3A_227 = arith.constant 0 : i32
        %dma_start3A_228 = tpu.memref_slice %arg3[%arg0, %add3A_223, %dma_start3A_227] : memref<2x2112x384xi32, #tpu.memory_space<hbm>> -> memref<1x1x384xi32, #tpu.memory_space<hbm>>
        %dma_start3A_229 = tpu.memref_squeeze %dma_start3A_228 : memref<1x1x384xi32, #tpu.memory_space<hbm>> -> memref<384xi32, #tpu.memory_space<hbm>>
        tpu.enqueue_dma source(%dma_start3A_229 : memref<384xi32, #tpu.memory_space<hbm>>) target(%arg9 : memref<384xi32, #tpu.memory_space<vmem>>) target_semaphore(%arg19 : memref<!tpu.dma_semaphore, #tpu.memory_space<semaphore_mem>>)
        %add3A_230 = arith.constant 1 : i32
        %add3A_231 = arith.addi %add3A_221, %add3A_230 : i32
        %dma_start3A_232 = arith.constant 0 : i32
        %dma_start3A_233 = tpu.memref_slice %arg4[%add3A_231, %dma_start3A_232] : memref<2112x384xi32, #tpu.memory_space<hbm>> -> memref<1x384xi32, #tpu.memory_space<hbm>>
        %dma_start3A_234 = tpu.memref_squeeze %dma_start3A_233 : memref<1x384xi32, #tpu.memory_space<hbm>> -> memref<384xi32, #tpu.memory_space<hbm>>
        %dma_start3A_235 = arith.constant 0 : i32
        %dma_start3A_236 = tpu.memref_slice %arg4[%add3A_231, %dma_start3A_235] : memref<2112x384xi32, #tpu.memory_space<hbm>> -> memref<1x384xi32, #tpu.memory_space<hbm>>
        %dma_start3A_237 = tpu.memref_squeeze %dma_start3A_236 : memref<1x384xi32, #tpu.memory_space<hbm>> -> memref<384xi32, #tpu.memory_space<hbm>>
        tpu.enqueue_dma source(%dma_start3A_237 : memref<384xi32, #tpu.memory_space<hbm>>) target(%arg13 : memref<384xi32, #tpu.memory_space<vmem>>) target_semaphore(%arg19 : memref<!tpu.dma_semaphore, #tpu.memory_space<semaphore_mem>>)
      } else {
      }
      %dma_start3A_205 = arith.constant 0 : i32
      %dma_start3A_206 = arith.constant 0 : i32
      %dma_start3A_207 = tpu.memref_slice %arg2[%dma_start3A_205, %dma_start3A_206] : memref<100096x32xf32, #tpu.memory_space<hbm>> -> memref<100096x32xf32, #tpu.memory_space<hbm>>
      tpu.enqueue_indirect_dma source(%dma_start3A_207 : memref<100096x32xf32, #tpu.memory_space<hbm>>) target(%arg17 : memref<384x32xf32, #tpu.memory_space<vmem>>) offsets(%arg11 : memref<384xi32, #tpu.memory_space<vmem>>) semaphore(%arg22 : memref<!tpu.dma_semaphore, #tpu.memory_space<semaphore_mem>>)
      %dma_wait3A_208 = arith.constant 0 : i32
      %dma_wait3A_209 = arith.constant 0 : i32
      %dma_wait3A_210 = tpu.memref_slice %arg2[%dma_wait3A_208, %dma_wait3A_209] : memref<100096x32xf32, #tpu.memory_space<hbm>> -> memref<100096x32xf32, #tpu.memory_space<hbm>>
      tpu.wait_indirect_dma semaphore(%arg22 : memref<!tpu.dma_semaphore, #tpu.memory_space<semaphore_mem>>) src(%dma_wait3A_210 : memref<100096x32xf32, #tpu.memory_space<hbm>>) dst(%arg16 : memref<384x32xf32, #tpu.memory_space<vmem>>)
      %dma_start3A_211 = arith.constant 0 : i32
      %dma_start3A_212 = arith.constant 0 : i32
      %dma_start3A_213 = tpu.memref_slice %arg7[%dma_start3A_211, %dma_start3A_212] : memref<50048x32xf32, #tpu.memory_space<vmem_shared>> -> memref<50048x32xf32, #tpu.memory_space<vmem_shared>>
      tpu.enqueue_indirect_dma source(%arg16 : memref<384x32xf32, #tpu.memory_space<vmem>>) target(%dma_start3A_213 : memref<50048x32xf32, #tpu.memory_space<vmem_shared>>) offsets(%arg14 : memref<384xi32, #tpu.memory_space<vmem>>) semaphore(%arg20 : memref<!tpu.dma_semaphore, #tpu.memory_space<semaphore_mem>>) {add = true}
      %dma_wait3A_214 = arith.constant 0 : i32
      %dma_wait3A_215 = arith.constant 0 : i32
      %dma_wait3A_216 = tpu.memref_slice %arg2[%dma_wait3A_214, %dma_wait3A_215] : memref<100096x32xf32, #tpu.memory_space<hbm>> -> memref<100096x32xf32, #tpu.memory_space<hbm>>
      tpu.wait_indirect_dma semaphore(%arg22 : memref<!tpu.dma_semaphore, #tpu.memory_space<semaphore_mem>>) src(%dma_wait3A_216 : memref<100096x32xf32, #tpu.memory_space<hbm>>) dst(%arg17 : memref<384x32xf32, #tpu.memory_space<vmem>>)
      %dma_start3A_217 = arith.constant 0 : i32
      %dma_start3A_218 = arith.constant 0 : i32
      %dma_start3A_219 = tpu.memref_slice %arg7[%dma_start3A_217, %dma_start3A_218] : memref<50048x32xf32, #tpu.memory_space<vmem_shared>> -> memref<50048x32xf32, #tpu.memory_space<vmem_shared>>
      tpu.enqueue_indirect_dma source(%arg17 : memref<384x32xf32, #tpu.memory_space<vmem>>) target(%dma_start3A_219 : memref<50048x32xf32, #tpu.memory_space<vmem_shared>>) offsets(%arg15 : memref<384xi32, #tpu.memory_space<vmem>>) semaphore(%arg21 : memref<!tpu.dma_semaphore, #tpu.memory_space<semaphore_mem>>) {add = true}
    }
    %scan3A_36 = arith.constant 33 : i32
    %dma_wait3A = arith.constant 0 : i32
    %dma_wait3A_37 = arith.constant 0 : i32
    %dma_wait3A_38 = tpu.memref_slice %arg7[%dma_wait3A, %dma_wait3A_37] : memref<50048x32xf32, #tpu.memory_space<vmem_shared>> -> memref<50048x32xf32, #tpu.memory_space<vmem_shared>>
    tpu.wait_indirect_dma semaphore(%arg20 : memref<!tpu.dma_semaphore, #tpu.memory_space<semaphore_mem>>) src(%arg16 : memref<384x32xf32, #tpu.memory_space<vmem>>) dst(%dma_wait3A_38 : memref<50048x32xf32, #tpu.memory_space<vmem_shared>>)
    %dma_wait3A_39 = arith.constant 0 : i32
    %dma_wait3A_40 = arith.constant 0 : i32
    %dma_wait3A_41 = tpu.memref_slice %arg7[%dma_wait3A_39, %dma_wait3A_40] : memref<50048x32xf32, #tpu.memory_space<vmem_shared>> -> memref<50048x32xf32, #tpu.memory_space<vmem_shared>>
    tpu.wait_indirect_dma semaphore(%arg21 : memref<!tpu.dma_semaphore, #tpu.memory_space<semaphore_mem>>) src(%arg17 : memref<384x32xf32, #tpu.memory_space<vmem>>) dst(%dma_wait3A_41 : memref<50048x32xf32, #tpu.memory_space<vmem_shared>>)
    %barrier3A_42 = arith.constant 0 : index
    tpu.barrier barrier_id(%barrier3A_42)
    "tpu.region"() ({
      %run_scoped3A = tpu.sem_alloc : memref<!tpu.dma_semaphore, #tpu.memory_space<semaphore_mem>>
      %dma_start3A_43 = arith.constant 0 : i32
      %dma_start3A_44 = tpu.memref_slice %arg6[%arg0, %mul3A_0, %dma_start3A_43] : memref<2x50048x32xf32, #tpu.memory_space<hbm>> -> memref<1x3128x32xf32, #tpu.memory_space<hbm>>
      %dma_start3A_45 = tpu.memref_squeeze %dma_start3A_44 : memref<1x3128x32xf32, #tpu.memory_space<hbm>> -> memref<3128x32xf32, #tpu.memory_space<hbm>>
      %dma_start3A_46 = arith.constant 0 : i32
      %dma_start3A_47 = tpu.memref_slice %arg7[%mul3A_0, %dma_start3A_46] : memref<50048x32xf32, #tpu.memory_space<vmem_shared>> -> memref<3128x32xf32, #tpu.memory_space<vmem_shared>>
      tpu.enqueue_dma source(%dma_start3A_47 : memref<3128x32xf32, #tpu.memory_space<vmem_shared>>) target(%dma_start3A_45 : memref<3128x32xf32, #tpu.memory_space<hbm>>) target_semaphore(%run_scoped3A : memref<!tpu.dma_semaphore, #tpu.memory_space<semaphore_mem>>)
      %dma_wait3A_48 = arith.constant 0 : i32
      %dma_wait3A_49 = tpu.memref_slice %arg6[%arg0, %mul3A_0, %dma_wait3A_48] : memref<2x50048x32xf32, #tpu.memory_space<hbm>> -> memref<1x3128x32xf32, #tpu.memory_space<hbm>>
      %dma_wait3A_50 = tpu.memref_squeeze %dma_wait3A_49 : memref<1x3128x32xf32, #tpu.memory_space<hbm>> -> memref<3128x32xf32, #tpu.memory_space<hbm>>
      %dma_wait3A_51 = arith.constant 0 : i32
      %dma_wait3A_52 = tpu.memref_slice %arg7[%mul3A_0, %dma_wait3A_51] : memref<50048x32xf32, #tpu.memory_space<vmem_shared>> -> memref<3128x32xf32, #tpu.memory_space<vmem_shared>>
      tpu.wait_dma2 semaphore(%run_scoped3A : memref<!tpu.dma_semaphore, #tpu.memory_space<semaphore_mem>>) src(%dma_wait3A_52 : memref<3128x32xf32, #tpu.memory_space<vmem_shared>>) dst(%dma_wait3A_50 : memref<3128x32xf32, #tpu.memory_space<hbm>>)
      tpu.yield
    }) : () -> ()
    return
  }
}

#map = affine_map<(d0, d1) -> (0, 0)>
#map1 = affine_map<(d0, d1) -> (0, 0, 0)>
module attributes {stable_mosaic.version = 14 : i64} {
  func.func @sage_seg_sum(%arg0: i32, %arg1: i32, %arg2: memref<100096x32xf32, #tpu.memory_space<hbm>>, %arg3: memref<2x2112x384xi32, #tpu.memory_space<hbm>>, %arg4: memref<2112x384xi32, #tpu.memory_space<hbm>>, %arg5: memref<3128x32xf32, #tpu.memory_space<hbm>>, %arg6: memref<2x50048x32xf32, #tpu.memory_space<hbm>>, %arg7: memref<50048x32xf32, #tpu.memory_space<vmem_shared>>, %arg8: memref<384xi32, #tpu.memory_space<vmem>>, %arg9: memref<384xi32, #tpu.memory_space<vmem>>, %arg10: memref<384xi32, #tpu.memory_space<vmem>>, %arg11: memref<384xi32, #tpu.memory_space<vmem>>, %arg12: memref<384xi32, #tpu.memory_space<vmem>>, %arg13: memref<384xi32, #tpu.memory_space<vmem>>, %arg14: memref<384xi32, #tpu.memory_space<vmem>>, %arg15: memref<384xi32, #tpu.memory_space<vmem>>, %arg16: memref<384x32xf32, #tpu.memory_space<vmem>>, %arg17: memref<384x32xf32, #tpu.memory_space<vmem>>, %arg18: memref<!tpu.dma_semaphore, #tpu.memory_space<semaphore_mem>>, %arg19: memref<!tpu.dma_semaphore, #tpu.memory_space<semaphore_mem>>, %arg20: memref<!tpu.dma_semaphore, #tpu.memory_space<semaphore_mem>>, %arg21: memref<!tpu.dma_semaphore, #tpu.memory_space<semaphore_mem>>, %arg22: memref<!tpu.dma_semaphore, #tpu.memory_space<semaphore_mem>>) attributes {dimension_semantics = [#tpu.dimension_semantics<core_parallel>, #tpu.dimension_semantics<subcore_parallel>], iteration_bounds = array<i64: 2, 16>, scalar_prefetch = 0 : i64, scratch_operands = 16 : i64, tpu.core_type = #tpu.core_type<sc_vector_subcore>, window_params = [{transform_indices = #map}, {transform_indices = #map1}, {transform_indices = #map}, {transform_indices = #map}, {transform_indices = #map1}]} {
    %mul3A = arith.constant 3128 : i32
    %mul3A_0 = arith.muli %arg1, %mul3A : i32
    "tpu.region"() ({
      %run_scoped3A = tpu.sem_alloc : memref<!tpu.dma_semaphore, #tpu.memory_space<semaphore_mem>>
      %dma_start3A_43 = arith.constant 0 : i32
      %dma_start3A_44 = tpu.memref_slice %arg7[%mul3A_0, %dma_start3A_43] : memref<50048x32xf32, #tpu.memory_space<vmem_shared>> -> memref<3128x32xf32, #tpu.memory_space<vmem_shared>>
      tpu.enqueue_dma source(%arg5 : memref<3128x32xf32, #tpu.memory_space<hbm>>) target(%dma_start3A_44 : memref<3128x32xf32, #tpu.memory_space<vmem_shared>>) target_semaphore(%run_scoped3A : memref<!tpu.dma_semaphore, #tpu.memory_space<semaphore_mem>>)
      %dma_wait3A_45 = arith.constant 0 : i32
      %dma_wait3A_46 = tpu.memref_slice %arg7[%mul3A_0, %dma_wait3A_45] : memref<50048x32xf32, #tpu.memory_space<vmem_shared>> -> memref<3128x32xf32, #tpu.memory_space<vmem_shared>>
      tpu.wait_dma2 semaphore(%run_scoped3A : memref<!tpu.dma_semaphore, #tpu.memory_space<semaphore_mem>>) src(%arg5 : memref<3128x32xf32, #tpu.memory_space<hbm>>) dst(%dma_wait3A_46 : memref<3128x32xf32, #tpu.memory_space<vmem_shared>>)
      tpu.yield
    }) : () -> ()
    %barrier3A = arith.constant 0 : index
    tpu.barrier barrier_id(%barrier3A)
    %mul3A_1 = arith.constant 132 : i32
    %mul3A_2 = arith.muli %arg1, %mul3A_1 : i32
    %add3A = arith.constant 0 : i32
    %add3A_3 = arith.addi %mul3A_2, %add3A : i32
    %dma_start3A = arith.constant 0 : i32
    %dma_start3A_4 = tpu.memref_slice %arg3[%arg0, %add3A_3, %dma_start3A] : memref<2x2112x384xi32, #tpu.memory_space<hbm>> -> memref<1x1x384xi32, #tpu.memory_space<hbm>>
    %dma_start3A_5 = tpu.memref_squeeze %dma_start3A_4 : memref<1x1x384xi32, #tpu.memory_space<hbm>> -> memref<384xi32, #tpu.memory_space<hbm>>
    %dma_start3A_6 = arith.constant 0 : i32
    %dma_start3A_7 = tpu.memref_slice %arg3[%arg0, %add3A_3, %dma_start3A_6] : memref<2x2112x384xi32, #tpu.memory_space<hbm>> -> memref<1x1x384xi32, #tpu.memory_space<hbm>>
    %dma_start3A_8 = tpu.memref_squeeze %dma_start3A_7 : memref<1x1x384xi32, #tpu.memory_space<hbm>> -> memref<384xi32, #tpu.memory_space<hbm>>
    tpu.enqueue_dma source(%dma_start3A_8 : memref<384xi32, #tpu.memory_space<hbm>>) target(%arg8 : memref<384xi32, #tpu.memory_space<vmem>>) target_semaphore(%arg18 : memref<!tpu.dma_semaphore, #tpu.memory_space<semaphore_mem>>)
    %add3A_9 = arith.constant 0 : i32
    %add3A_10 = arith.addi %mul3A_2, %add3A_9 : i32
    %dma_start3A_11 = arith.constant 0 : i32
    %dma_start3A_12 = tpu.memref_slice %arg4[%add3A_10, %dma_start3A_11] : memref<2112x384xi32, #tpu.memory_space<hbm>> -> memref<1x384xi32, #tpu.memory_space<hbm>>
    %dma_start3A_13 = tpu.memref_squeeze %dma_start3A_12 : memref<1x384xi32, #tpu.memory_space<hbm>> -> memref<384xi32, #tpu.memory_space<hbm>>
    %dma_start3A_14 = arith.constant 0 : i32
    %dma_start3A_15 = tpu.memref_slice %arg4[%add3A_10, %dma_start3A_14] : memref<2112x384xi32, #tpu.memory_space<hbm>> -> memref<1x384xi32, #tpu.memory_space<hbm>>
    %dma_start3A_16 = tpu.memref_squeeze %dma_start3A_15 : memref<1x384xi32, #tpu.memory_space<hbm>> -> memref<384xi32, #tpu.memory_space<hbm>>
    tpu.enqueue_dma source(%dma_start3A_16 : memref<384xi32, #tpu.memory_space<hbm>>) target(%arg12 : memref<384xi32, #tpu.memory_space<vmem>>) target_semaphore(%arg18 : memref<!tpu.dma_semaphore, #tpu.memory_space<semaphore_mem>>)
    %add3A_17 = arith.constant 1 : i32
    %add3A_18 = arith.addi %mul3A_2, %add3A_17 : i32
    %dma_start3A_19 = arith.constant 0 : i32
    %dma_start3A_20 = tpu.memref_slice %arg3[%arg0, %add3A_18, %dma_start3A_19] : memref<2x2112x384xi32, #tpu.memory_space<hbm>> -> memref<1x1x384xi32, #tpu.memory_space<hbm>>
    %dma_start3A_21 = tpu.memref_squeeze %dma_start3A_20 : memref<1x1x384xi32, #tpu.memory_space<hbm>> -> memref<384xi32, #tpu.memory_space<hbm>>
    %dma_start3A_22 = arith.constant 0 : i32
    %dma_start3A_23 = tpu.memref_slice %arg3[%arg0, %add3A_18, %dma_start3A_22] : memref<2x2112x384xi32, #tpu.memory_space<hbm>> -> memref<1x1x384xi32, #tpu.memory_space<hbm>>
    %dma_start3A_24 = tpu.memref_squeeze %dma_start3A_23 : memref<1x1x384xi32, #tpu.memory_space<hbm>> -> memref<384xi32, #tpu.memory_space<hbm>>
    tpu.enqueue_dma source(%dma_start3A_24 : memref<384xi32, #tpu.memory_space<hbm>>) target(%arg9 : memref<384xi32, #tpu.memory_space<vmem>>) target_semaphore(%arg19 : memref<!tpu.dma_semaphore, #tpu.memory_space<semaphore_mem>>)
    %add3A_25 = arith.constant 1 : i32
    %add3A_26 = arith.addi %mul3A_2, %add3A_25 : i32
    %dma_start3A_27 = arith.constant 0 : i32
    %dma_start3A_28 = tpu.memref_slice %arg4[%add3A_26, %dma_start3A_27] : memref<2112x384xi32, #tpu.memory_space<hbm>> -> memref<1x384xi32, #tpu.memory_space<hbm>>
    %dma_start3A_29 = tpu.memref_squeeze %dma_start3A_28 : memref<1x384xi32, #tpu.memory_space<hbm>> -> memref<384xi32, #tpu.memory_space<hbm>>
    %dma_start3A_30 = arith.constant 0 : i32
    %dma_start3A_31 = tpu.memref_slice %arg4[%add3A_26, %dma_start3A_30] : memref<2112x384xi32, #tpu.memory_space<hbm>> -> memref<1x384xi32, #tpu.memory_space<hbm>>
    %dma_start3A_32 = tpu.memref_squeeze %dma_start3A_31 : memref<1x384xi32, #tpu.memory_space<hbm>> -> memref<384xi32, #tpu.memory_space<hbm>>
    tpu.enqueue_dma source(%dma_start3A_32 : memref<384xi32, #tpu.memory_space<hbm>>) target(%arg13 : memref<384xi32, #tpu.memory_space<vmem>>) target_semaphore(%arg19 : memref<!tpu.dma_semaphore, #tpu.memory_space<semaphore_mem>>)
    %scan3A = arith.constant 0 : i32
    %scan3A_33 = arith.constant 33 : i32
    %scan3A_34 = arith.addi %scan3A, %scan3A_33 : i32
    %scan3A_35 = arith.constant 1 : i32
    scf.for %scan3A_43 = %scan3A to %scan3A_34 step %scan3A_35  : i32 {
      %mul3A_44 = arith.constant 1 : i32
      %mul3A_45 = arith.muli %scan3A_43, %mul3A_44 : i32
      %add3A_46 = arith.constant 0 : i32
      %add3A_47 = arith.addi %add3A_46, %mul3A_45 : i32
      %mul3A_48 = arith.constant 2 : i32
      %mul3A_49 = arith.muli %mul3A_48, %add3A_47 : i32
      %eq3A = arith.constant 0 : i32
      %eq3A_50 = arith.cmpi eq, %add3A_47, %eq3A : i32
      %mul3A_51 = arith.constant 2 : i32
      %mul3A_52 = arith.muli %mul3A_51, %mul3A_49 : i32
      %add3A_53 = arith.addi %mul3A_2, %mul3A_52 : i32
      %add3A_54 = arith.constant 0 : i32
      %add3A_55 = arith.addi %add3A_53, %add3A_54 : i32
      %dma_wait3A_56 = arith.constant 0 : i32
      %dma_wait3A_57 = tpu.memref_slice %arg3[%arg0, %add3A_55, %dma_wait3A_56] : memref<2x2112x384xi32, #tpu.memory_space<hbm>> -> memref<1x1x384xi32, #tpu.memory_space<hbm>>
      %dma_wait3A_58 = tpu.memref_squeeze %dma_wait3A_57 : memref<1x1x384xi32, #tpu.memory_space<hbm>> -> memref<384xi32, #tpu.memory_space<hbm>>
      %dma_wait3A_59 = arith.constant 0 : i32
      %dma_wait3A_60 = tpu.memref_slice %arg3[%arg0, %add3A_55, %dma_wait3A_59] : memref<2x2112x384xi32, #tpu.memory_space<hbm>> -> memref<1x1x384xi32, #tpu.memory_space<hbm>>
      %dma_wait3A_61 = tpu.memref_squeeze %dma_wait3A_60 : memref<1x1x384xi32, #tpu.memory_space<hbm>> -> memref<384xi32, #tpu.memory_space<hbm>>
      tpu.wait_dma2 semaphore(%arg18 : memref<!tpu.dma_semaphore, #tpu.memory_space<semaphore_mem>>) src(%dma_wait3A_61 : memref<384xi32, #tpu.memory_space<hbm>>) dst(%arg8 : memref<384xi32, #tpu.memory_space<vmem>>)
      %add3A_62 = arith.constant 0 : i32
      %add3A_63 = arith.addi %add3A_53, %add3A_62 : i32
      %dma_wait3A_64 = arith.constant 0 : i32
      %dma_wait3A_65 = tpu.memref_slice %arg4[%add3A_63, %dma_wait3A_64] : memref<2112x384xi32, #tpu.memory_space<hbm>> -> memref<1x384xi32, #tpu.memory_space<hbm>>
      %dma_wait3A_66 = tpu.memref_squeeze %dma_wait3A_65 : memref<1x384xi32, #tpu.memory_space<hbm>> -> memref<384xi32, #tpu.memory_space<hbm>>
      %dma_wait3A_67 = arith.constant 0 : i32
      %dma_wait3A_68 = tpu.memref_slice %arg4[%add3A_63, %dma_wait3A_67] : memref<2112x384xi32, #tpu.memory_space<hbm>> -> memref<1x384xi32, #tpu.memory_space<hbm>>
      %dma_wait3A_69 = tpu.memref_squeeze %dma_wait3A_68 : memref<1x384xi32, #tpu.memory_space<hbm>> -> memref<384xi32, #tpu.memory_space<hbm>>
      tpu.wait_dma2 semaphore(%arg18 : memref<!tpu.dma_semaphore, #tpu.memory_space<semaphore_mem>>) src(%dma_wait3A_69 : memref<384xi32, #tpu.memory_space<hbm>>) dst(%arg12 : memref<384xi32, #tpu.memory_space<vmem>>)
      %not3A = arith.constant true
      %not3A_70 = arith.xori %eq3A_50, %not3A : i1
      %convert_element_type3A = arith.extui %not3A_70 : i1 to i32
      %cond3A = arith.constant 0 : i32
      %cond3A_71 = arith.cmpi ne, %convert_element_type3A, %cond3A : i32
      scf.if %cond3A_71 {
        %dma_wait3A_220 = arith.constant 0 : i32
        %dma_wait3A_221 = arith.constant 0 : i32
        %dma_wait3A_222 = tpu.memref_slice %arg7[%dma_wait3A_220, %dma_wait3A_221] : memref<50048x32xf32, #tpu.memory_space<vmem_shared>> -> memref<50048x32xf32, #tpu.memory_space<vmem_shared>>
        tpu.wait_indirect_dma semaphore(%arg20 : memref<!tpu.dma_semaphore, #tpu.memory_space<semaphore_mem>>) src(%arg16 : memref<384x32xf32, #tpu.memory_space<vmem>>) dst(%dma_wait3A_222 : memref<50048x32xf32, #tpu.memory_space<vmem_shared>>)
      } else {
      }
      %add3A_72 = arith.constant 2 : i32
      %add3A_73 = arith.addi %add3A_53, %add3A_72 : i32
      %add3A_74 = arith.constant 0 : i32
      %add3A_75 = arith.addi %add3A_73, %add3A_74 : i32
      %dma_start3A_76 = arith.constant 0 : i32
      %dma_start3A_77 = tpu.memref_slice %arg3[%arg0, %add3A_75, %dma_start3A_76] : memref<2x2112x384xi32, #tpu.memory_space<hbm>> -> memref<1x1x384xi32, #tpu.memory_space<hbm>>
      %dma_start3A_78 = tpu.memref_squeeze %dma_start3A_77 : memref<1x1x384xi32, #tpu.memory_space<hbm>> -> memref<384xi32, #tpu.memory_space<hbm>>
      %dma_start3A_79 = arith.constant 0 : i32
      %dma_start3A_80 = tpu.memref_slice %arg3[%arg0, %add3A_75, %dma_start3A_79] : memref<2x2112x384xi32, #tpu.memory_space<hbm>> -> memref<1x1x384xi32, #tpu.memory_space<hbm>>
      %dma_start3A_81 = tpu.memref_squeeze %dma_start3A_80 : memref<1x1x384xi32, #tpu.memory_space<hbm>> -> memref<384xi32, #tpu.memory_space<hbm>>
      tpu.enqueue_dma source(%dma_start3A_81 : memref<384xi32, #tpu.memory_space<hbm>>) target(%arg10 : memref<384xi32, #tpu.memory_space<vmem>>) target_semaphore(%arg18 : memref<!tpu.dma_semaphore, #tpu.memory_space<semaphore_mem>>)
      %add3A_82 = arith.constant 0 : i32
      %add3A_83 = arith.addi %add3A_73, %add3A_82 : i32
      %dma_start3A_84 = arith.constant 0 : i32
      %dma_start3A_85 = tpu.memref_slice %arg4[%add3A_83, %dma_start3A_84] : memref<2112x384xi32, #tpu.memory_space<hbm>> -> memref<1x384xi32, #tpu.memory_space<hbm>>
      %dma_start3A_86 = tpu.memref_squeeze %dma_start3A_85 : memref<1x384xi32, #tpu.memory_space<hbm>> -> memref<384xi32, #tpu.memory_space<hbm>>
      %dma_start3A_87 = arith.constant 0 : i32
      %dma_start3A_88 = tpu.memref_slice %arg4[%add3A_83, %dma_start3A_87] : memref<2112x384xi32, #tpu.memory_space<hbm>> -> memref<1x384xi32, #tpu.memory_space<hbm>>
      %dma_start3A_89 = tpu.memref_squeeze %dma_start3A_88 : memref<1x384xi32, #tpu.memory_space<hbm>> -> memref<384xi32, #tpu.memory_space<hbm>>
      tpu.enqueue_dma source(%dma_start3A_89 : memref<384xi32, #tpu.memory_space<hbm>>) target(%arg14 : memref<384xi32, #tpu.memory_space<vmem>>) target_semaphore(%arg18 : memref<!tpu.dma_semaphore, #tpu.memory_space<semaphore_mem>>)
      %dma_start3A_90 = arith.constant 0 : i32
      %dma_start3A_91 = arith.constant 0 : i32
      %dma_start3A_92 = tpu.memref_slice %arg2[%dma_start3A_90, %dma_start3A_91] : memref<100096x32xf32, #tpu.memory_space<hbm>> -> memref<100096x32xf32, #tpu.memory_space<hbm>>
      tpu.enqueue_indirect_dma source(%dma_start3A_92 : memref<100096x32xf32, #tpu.memory_space<hbm>>) target(%arg16 : memref<384x32xf32, #tpu.memory_space<vmem>>) offsets(%arg8 : memref<384xi32, #tpu.memory_space<vmem>>) semaphore(%arg22 : memref<!tpu.dma_semaphore, #tpu.memory_space<semaphore_mem>>)
      %add3A_93 = arith.constant 1 : i32
      %add3A_94 = arith.addi %add3A_53, %add3A_93 : i32
      %dma_wait3A_95 = arith.constant 0 : i32
      %dma_wait3A_96 = tpu.memref_slice %arg3[%arg0, %add3A_94, %dma_wait3A_95] : memref<2x2112x384xi32, #tpu.memory_space<hbm>> -> memref<1x1x384xi32, #tpu.memory_space<hbm>>
      %dma_wait3A_97 = tpu.memref_squeeze %dma_wait3A_96 : memref<1x1x384xi32, #tpu.memory_space<hbm>> -> memref<384xi32, #tpu.memory_space<hbm>>
      %dma_wait3A_98 = arith.constant 0 : i32
      %dma_wait3A_99 = tpu.memref_slice %arg3[%arg0, %add3A_94, %dma_wait3A_98] : memref<2x2112x384xi32, #tpu.memory_space<hbm>> -> memref<1x1x384xi32, #tpu.memory_space<hbm>>
      %dma_wait3A_100 = tpu.memref_squeeze %dma_wait3A_99 : memref<1x1x384xi32, #tpu.memory_space<hbm>> -> memref<384xi32, #tpu.memory_space<hbm>>
      tpu.wait_dma2 semaphore(%arg19 : memref<!tpu.dma_semaphore, #tpu.memory_space<semaphore_mem>>) src(%dma_wait3A_100 : memref<384xi32, #tpu.memory_space<hbm>>) dst(%arg9 : memref<384xi32, #tpu.memory_space<vmem>>)
      %add3A_101 = arith.constant 1 : i32
      %add3A_102 = arith.addi %add3A_53, %add3A_101 : i32
      %dma_wait3A_103 = arith.constant 0 : i32
      %dma_wait3A_104 = tpu.memref_slice %arg4[%add3A_102, %dma_wait3A_103] : memref<2112x384xi32, #tpu.memory_space<hbm>> -> memref<1x384xi32, #tpu.memory_space<hbm>>
      %dma_wait3A_105 = tpu.memref_squeeze %dma_wait3A_104 : memref<1x384xi32, #tpu.memory_space<hbm>> -> memref<384xi32, #tpu.memory_space<hbm>>
      %dma_wait3A_106 = arith.constant 0 : i32
      %dma_wait3A_107 = tpu.memref_slice %arg4[%add3A_102, %dma_wait3A_106] : memref<2112x384xi32, #tpu.memory_space<hbm>> -> memref<1x384xi32, #tpu.memory_space<hbm>>
      %dma_wait3A_108 = tpu.memref_squeeze %dma_wait3A_107 : memref<1x384xi32, #tpu.memory_space<hbm>> -> memref<384xi32, #tpu.memory_space<hbm>>
      tpu.wait_dma2 semaphore(%arg19 : memref<!tpu.dma_semaphore, #tpu.memory_space<semaphore_mem>>) src(%dma_wait3A_108 : memref<384xi32, #tpu.memory_space<hbm>>) dst(%arg13 : memref<384xi32, #tpu.memory_space<vmem>>)
      %not3A_109 = arith.constant true
      %not3A_110 = arith.xori %eq3A_50, %not3A_109 : i1
      %convert_element_type3A_111 = arith.extui %not3A_110 : i1 to i32
      %cond3A_112 = arith.constant 0 : i32
      %cond3A_113 = arith.cmpi ne, %convert_element_type3A_111, %cond3A_112 : i32
      scf.if %cond3A_113 {
        %dma_wait3A_220 = arith.constant 0 : i32
        %dma_wait3A_221 = arith.constant 0 : i32
        %dma_wait3A_222 = tpu.memref_slice %arg7[%dma_wait3A_220, %dma_wait3A_221] : memref<50048x32xf32, #tpu.memory_space<vmem_shared>> -> memref<50048x32xf32, #tpu.memory_space<vmem_shared>>
        tpu.wait_indirect_dma semaphore(%arg21 : memref<!tpu.dma_semaphore, #tpu.memory_space<semaphore_mem>>) src(%arg17 : memref<384x32xf32, #tpu.memory_space<vmem>>) dst(%dma_wait3A_222 : memref<50048x32xf32, #tpu.memory_space<vmem_shared>>)
      } else {
      }
      %add3A_114 = arith.constant 2 : i32
      %add3A_115 = arith.addi %add3A_53, %add3A_114 : i32
      %add3A_116 = arith.constant 1 : i32
      %add3A_117 = arith.addi %add3A_115, %add3A_116 : i32
      %dma_start3A_118 = arith.constant 0 : i32
      %dma_start3A_119 = tpu.memref_slice %arg3[%arg0, %add3A_117, %dma_start3A_118] : memref<2x2112x384xi32, #tpu.memory_space<hbm>> -> memref<1x1x384xi32, #tpu.memory_space<hbm>>
      %dma_start3A_120 = tpu.memref_squeeze %dma_start3A_119 : memref<1x1x384xi32, #tpu.memory_space<hbm>> -> memref<384xi32, #tpu.memory_space<hbm>>
      %dma_start3A_121 = arith.constant 0 : i32
      %dma_start3A_122 = tpu.memref_slice %arg3[%arg0, %add3A_117, %dma_start3A_121] : memref<2x2112x384xi32, #tpu.memory_space<hbm>> -> memref<1x1x384xi32, #tpu.memory_space<hbm>>
      %dma_start3A_123 = tpu.memref_squeeze %dma_start3A_122 : memref<1x1x384xi32, #tpu.memory_space<hbm>> -> memref<384xi32, #tpu.memory_space<hbm>>
      tpu.enqueue_dma source(%dma_start3A_123 : memref<384xi32, #tpu.memory_space<hbm>>) target(%arg11 : memref<384xi32, #tpu.memory_space<vmem>>) target_semaphore(%arg19 : memref<!tpu.dma_semaphore, #tpu.memory_space<semaphore_mem>>)
      %add3A_124 = arith.constant 1 : i32
      %add3A_125 = arith.addi %add3A_115, %add3A_124 : i32
      %dma_start3A_126 = arith.constant 0 : i32
      %dma_start3A_127 = tpu.memref_slice %arg4[%add3A_125, %dma_start3A_126] : memref<2112x384xi32, #tpu.memory_space<hbm>> -> memref<1x384xi32, #tpu.memory_space<hbm>>
      %dma_start3A_128 = tpu.memref_squeeze %dma_start3A_127 : memref<1x384xi32, #tpu.memory_space<hbm>> -> memref<384xi32, #tpu.memory_space<hbm>>
      %dma_start3A_129 = arith.constant 0 : i32
      %dma_start3A_130 = tpu.memref_slice %arg4[%add3A_125, %dma_start3A_129] : memref<2112x384xi32, #tpu.memory_space<hbm>> -> memref<1x384xi32, #tpu.memory_space<hbm>>
      %dma_start3A_131 = tpu.memref_squeeze %dma_start3A_130 : memref<1x384xi32, #tpu.memory_space<hbm>> -> memref<384xi32, #tpu.memory_space<hbm>>
      tpu.enqueue_dma source(%dma_start3A_131 : memref<384xi32, #tpu.memory_space<hbm>>) target(%arg15 : memref<384xi32, #tpu.memory_space<vmem>>) target_semaphore(%arg19 : memref<!tpu.dma_semaphore, #tpu.memory_space<semaphore_mem>>)
      %dma_start3A_132 = arith.constant 0 : i32
      %dma_start3A_133 = arith.constant 0 : i32
      %dma_start3A_134 = tpu.memref_slice %arg2[%dma_start3A_132, %dma_start3A_133] : memref<100096x32xf32, #tpu.memory_space<hbm>> -> memref<100096x32xf32, #tpu.memory_space<hbm>>
      tpu.enqueue_indirect_dma source(%dma_start3A_134 : memref<100096x32xf32, #tpu.memory_space<hbm>>) target(%arg17 : memref<384x32xf32, #tpu.memory_space<vmem>>) offsets(%arg9 : memref<384xi32, #tpu.memory_space<vmem>>) semaphore(%arg22 : memref<!tpu.dma_semaphore, #tpu.memory_space<semaphore_mem>>)
      %dma_wait3A_135 = arith.constant 0 : i32
      %dma_wait3A_136 = arith.constant 0 : i32
      %dma_wait3A_137 = tpu.memref_slice %arg2[%dma_wait3A_135, %dma_wait3A_136] : memref<100096x32xf32, #tpu.memory_space<hbm>> -> memref<100096x32xf32, #tpu.memory_space<hbm>>
      tpu.wait_indirect_dma semaphore(%arg22 : memref<!tpu.dma_semaphore, #tpu.memory_space<semaphore_mem>>) src(%dma_wait3A_137 : memref<100096x32xf32, #tpu.memory_space<hbm>>) dst(%arg16 : memref<384x32xf32, #tpu.memory_space<vmem>>)
      %dma_start3A_138 = arith.constant 0 : i32
      %dma_start3A_139 = arith.constant 0 : i32
      %dma_start3A_140 = tpu.memref_slice %arg7[%dma_start3A_138, %dma_start3A_139] : memref<50048x32xf32, #tpu.memory_space<vmem_shared>> -> memref<50048x32xf32, #tpu.memory_space<vmem_shared>>
      tpu.enqueue_indirect_dma source(%arg16 : memref<384x32xf32, #tpu.memory_space<vmem>>) target(%dma_start3A_140 : memref<50048x32xf32, #tpu.memory_space<vmem_shared>>) offsets(%arg12 : memref<384xi32, #tpu.memory_space<vmem>>) semaphore(%arg20 : memref<!tpu.dma_semaphore, #tpu.memory_space<semaphore_mem>>) {add = true}
      %dma_wait3A_141 = arith.constant 0 : i32
      %dma_wait3A_142 = arith.constant 0 : i32
      %dma_wait3A_143 = tpu.memref_slice %arg2[%dma_wait3A_141, %dma_wait3A_142] : memref<100096x32xf32, #tpu.memory_space<hbm>> -> memref<100096x32xf32, #tpu.memory_space<hbm>>
      tpu.wait_indirect_dma semaphore(%arg22 : memref<!tpu.dma_semaphore, #tpu.memory_space<semaphore_mem>>) src(%dma_wait3A_143 : memref<100096x32xf32, #tpu.memory_space<hbm>>) dst(%arg17 : memref<384x32xf32, #tpu.memory_space<vmem>>)
      %dma_start3A_144 = arith.constant 0 : i32
      %dma_start3A_145 = arith.constant 0 : i32
      %dma_start3A_146 = tpu.memref_slice %arg7[%dma_start3A_144, %dma_start3A_145] : memref<50048x32xf32, #tpu.memory_space<vmem_shared>> -> memref<50048x32xf32, #tpu.memory_space<vmem_shared>>
      tpu.enqueue_indirect_dma source(%arg17 : memref<384x32xf32, #tpu.memory_space<vmem>>) target(%dma_start3A_146 : memref<50048x32xf32, #tpu.memory_space<vmem_shared>>) offsets(%arg13 : memref<384xi32, #tpu.memory_space<vmem>>) semaphore(%arg21 : memref<!tpu.dma_semaphore, #tpu.memory_space<semaphore_mem>>) {add = true}
      %add3A_147 = arith.constant 1 : i32
      %add3A_148 = arith.addi %mul3A_49, %add3A_147 : i32
      %eq3A_149 = arith.constant 32 : i32
      %eq3A_150 = arith.cmpi eq, %add3A_47, %eq3A_149 : i32
      %mul3A_151 = arith.constant 2 : i32
      %mul3A_152 = arith.muli %mul3A_151, %add3A_148 : i32
      %add3A_153 = arith.addi %mul3A_2, %mul3A_152 : i32
      %add3A_154 = arith.constant 0 : i32
      %add3A_155 = arith.addi %add3A_153, %add3A_154 : i32
      %dma_wait3A_156 = arith.constant 0 : i32
      %dma_wait3A_157 = tpu.memref_slice %arg3[%arg0, %add3A_155, %dma_wait3A_156] : memref<2x2112x384xi32, #tpu.memory_space<hbm>> -> memref<1x1x384xi32, #tpu.memory_space<hbm>>
      %dma_wait3A_158 = tpu.memref_squeeze %dma_wait3A_157 : memref<1x1x384xi32, #tpu.memory_space<hbm>> -> memref<384xi32, #tpu.memory_space<hbm>>
      %dma_wait3A_159 = arith.constant 0 : i32
      %dma_wait3A_160 = tpu.memref_slice %arg3[%arg0, %add3A_155, %dma_wait3A_159] : memref<2x2112x384xi32, #tpu.memory_space<hbm>> -> memref<1x1x384xi32, #tpu.memory_space<hbm>>
      %dma_wait3A_161 = tpu.memref_squeeze %dma_wait3A_160 : memref<1x1x384xi32, #tpu.memory_space<hbm>> -> memref<384xi32, #tpu.memory_space<hbm>>
      tpu.wait_dma2 semaphore(%arg18 : memref<!tpu.dma_semaphore, #tpu.memory_space<semaphore_mem>>) src(%dma_wait3A_161 : memref<384xi32, #tpu.memory_space<hbm>>) dst(%arg10 : memref<384xi32, #tpu.memory_space<vmem>>)
      %add3A_162 = arith.constant 0 : i32
      %add3A_163 = arith.addi %add3A_153, %add3A_162 : i32
      %dma_wait3A_164 = arith.constant 0 : i32
      %dma_wait3A_165 = tpu.memref_slice %arg4[%add3A_163, %dma_wait3A_164] : memref<2112x384xi32, #tpu.memory_space<hbm>> -> memref<1x384xi32, #tpu.memory_space<hbm>>
      %dma_wait3A_166 = tpu.memref_squeeze %dma_wait3A_165 : memref<1x384xi32, #tpu.memory_space<hbm>> -> memref<384xi32, #tpu.memory_space<hbm>>
      %dma_wait3A_167 = arith.constant 0 : i32
      %dma_wait3A_168 = tpu.memref_slice %arg4[%add3A_163, %dma_wait3A_167] : memref<2112x384xi32, #tpu.memory_space<hbm>> -> memref<1x384xi32, #tpu.memory_space<hbm>>
      %dma_wait3A_169 = tpu.memref_squeeze %dma_wait3A_168 : memref<1x384xi32, #tpu.memory_space<hbm>> -> memref<384xi32, #tpu.memory_space<hbm>>
      tpu.wait_dma2 semaphore(%arg18 : memref<!tpu.dma_semaphore, #tpu.memory_space<semaphore_mem>>) src(%dma_wait3A_169 : memref<384xi32, #tpu.memory_space<hbm>>) dst(%arg14 : memref<384xi32, #tpu.memory_space<vmem>>)
      %dma_wait3A_170 = arith.constant 0 : i32
      %dma_wait3A_171 = arith.constant 0 : i32
      %dma_wait3A_172 = tpu.memref_slice %arg7[%dma_wait3A_170, %dma_wait3A_171] : memref<50048x32xf32, #tpu.memory_space<vmem_shared>> -> memref<50048x32xf32, #tpu.memory_space<vmem_shared>>
      tpu.wait_indirect_dma semaphore(%arg20 : memref<!tpu.dma_semaphore, #tpu.memory_space<semaphore_mem>>) src(%arg16 : memref<384x32xf32, #tpu.memory_space<vmem>>) dst(%dma_wait3A_172 : memref<50048x32xf32, #tpu.memory_space<vmem_shared>>)
      %not3A_173 = arith.constant true
      %not3A_174 = arith.xori %eq3A_150, %not3A_173 : i1
      %convert_element_type3A_175 = arith.extui %not3A_174 : i1 to i32
      %cond3A_176 = arith.constant 0 : i32
      %cond3A_177 = arith.cmpi ne, %convert_element_type3A_175, %cond3A_176 : i32
      scf.if %cond3A_177 {
        %add3A_220 = arith.constant 2 : i32
        %add3A_221 = arith.addi %add3A_153, %add3A_220 : i32
        %add3A_222 = arith.constant 0 : i32
        %add3A_223 = arith.addi %add3A_221, %add3A_222 : i32
        %dma_start3A_224 = arith.constant 0 : i32
        %dma_start3A_225 = tpu.memref_slice %arg3[%arg0, %add3A_223, %dma_start3A_224] : memref<2x2112x384xi32, #tpu.memory_space<hbm>> -> memref<1x1x384xi32, #tpu.memory_space<hbm>>
        %dma_start3A_226 = tpu.memref_squeeze %dma_start3A_225 : memref<1x1x384xi32, #tpu.memory_space<hbm>> -> memref<384xi32, #tpu.memory_space<hbm>>
        %dma_start3A_227 = arith.constant 0 : i32
        %dma_start3A_228 = tpu.memref_slice %arg3[%arg0, %add3A_223, %dma_start3A_227] : memref<2x2112x384xi32, #tpu.memory_space<hbm>> -> memref<1x1x384xi32, #tpu.memory_space<hbm>>
        %dma_start3A_229 = tpu.memref_squeeze %dma_start3A_228 : memref<1x1x384xi32, #tpu.memory_space<hbm>> -> memref<384xi32, #tpu.memory_space<hbm>>
        tpu.enqueue_dma source(%dma_start3A_229 : memref<384xi32, #tpu.memory_space<hbm>>) target(%arg8 : memref<384xi32, #tpu.memory_space<vmem>>) target_semaphore(%arg18 : memref<!tpu.dma_semaphore, #tpu.memory_space<semaphore_mem>>)
        %add3A_230 = arith.constant 0 : i32
        %add3A_231 = arith.addi %add3A_221, %add3A_230 : i32
        %dma_start3A_232 = arith.constant 0 : i32
        %dma_start3A_233 = tpu.memref_slice %arg4[%add3A_231, %dma_start3A_232] : memref<2112x384xi32, #tpu.memory_space<hbm>> -> memref<1x384xi32, #tpu.memory_space<hbm>>
        %dma_start3A_234 = tpu.memref_squeeze %dma_start3A_233 : memref<1x384xi32, #tpu.memory_space<hbm>> -> memref<384xi32, #tpu.memory_space<hbm>>
        %dma_start3A_235 = arith.constant 0 : i32
        %dma_start3A_236 = tpu.memref_slice %arg4[%add3A_231, %dma_start3A_235] : memref<2112x384xi32, #tpu.memory_space<hbm>> -> memref<1x384xi32, #tpu.memory_space<hbm>>
        %dma_start3A_237 = tpu.memref_squeeze %dma_start3A_236 : memref<1x384xi32, #tpu.memory_space<hbm>> -> memref<384xi32, #tpu.memory_space<hbm>>
        tpu.enqueue_dma source(%dma_start3A_237 : memref<384xi32, #tpu.memory_space<hbm>>) target(%arg12 : memref<384xi32, #tpu.memory_space<vmem>>) target_semaphore(%arg18 : memref<!tpu.dma_semaphore, #tpu.memory_space<semaphore_mem>>)
      } else {
      }
      %dma_start3A_178 = arith.constant 0 : i32
      %dma_start3A_179 = arith.constant 0 : i32
      %dma_start3A_180 = tpu.memref_slice %arg2[%dma_start3A_178, %dma_start3A_179] : memref<100096x32xf32, #tpu.memory_space<hbm>> -> memref<100096x32xf32, #tpu.memory_space<hbm>>
      tpu.enqueue_indirect_dma source(%dma_start3A_180 : memref<100096x32xf32, #tpu.memory_space<hbm>>) target(%arg16 : memref<384x32xf32, #tpu.memory_space<vmem>>) offsets(%arg10 : memref<384xi32, #tpu.memory_space<vmem>>) semaphore(%arg22 : memref<!tpu.dma_semaphore, #tpu.memory_space<semaphore_mem>>)
      %add3A_181 = arith.constant 1 : i32
      %add3A_182 = arith.addi %add3A_153, %add3A_181 : i32
      %dma_wait3A_183 = arith.constant 0 : i32
      %dma_wait3A_184 = tpu.memref_slice %arg3[%arg0, %add3A_182, %dma_wait3A_183] : memref<2x2112x384xi32, #tpu.memory_space<hbm>> -> memref<1x1x384xi32, #tpu.memory_space<hbm>>
      %dma_wait3A_185 = tpu.memref_squeeze %dma_wait3A_184 : memref<1x1x384xi32, #tpu.memory_space<hbm>> -> memref<384xi32, #tpu.memory_space<hbm>>
      %dma_wait3A_186 = arith.constant 0 : i32
      %dma_wait3A_187 = tpu.memref_slice %arg3[%arg0, %add3A_182, %dma_wait3A_186] : memref<2x2112x384xi32, #tpu.memory_space<hbm>> -> memref<1x1x384xi32, #tpu.memory_space<hbm>>
      %dma_wait3A_188 = tpu.memref_squeeze %dma_wait3A_187 : memref<1x1x384xi32, #tpu.memory_space<hbm>> -> memref<384xi32, #tpu.memory_space<hbm>>
      tpu.wait_dma2 semaphore(%arg19 : memref<!tpu.dma_semaphore, #tpu.memory_space<semaphore_mem>>) src(%dma_wait3A_188 : memref<384xi32, #tpu.memory_space<hbm>>) dst(%arg11 : memref<384xi32, #tpu.memory_space<vmem>>)
      %add3A_189 = arith.constant 1 : i32
      %add3A_190 = arith.addi %add3A_153, %add3A_189 : i32
      %dma_wait3A_191 = arith.constant 0 : i32
      %dma_wait3A_192 = tpu.memref_slice %arg4[%add3A_190, %dma_wait3A_191] : memref<2112x384xi32, #tpu.memory_space<hbm>> -> memref<1x384xi32, #tpu.memory_space<hbm>>
      %dma_wait3A_193 = tpu.memref_squeeze %dma_wait3A_192 : memref<1x384xi32, #tpu.memory_space<hbm>> -> memref<384xi32, #tpu.memory_space<hbm>>
      %dma_wait3A_194 = arith.constant 0 : i32
      %dma_wait3A_195 = tpu.memref_slice %arg4[%add3A_190, %dma_wait3A_194] : memref<2112x384xi32, #tpu.memory_space<hbm>> -> memref<1x384xi32, #tpu.memory_space<hbm>>
      %dma_wait3A_196 = tpu.memref_squeeze %dma_wait3A_195 : memref<1x384xi32, #tpu.memory_space<hbm>> -> memref<384xi32, #tpu.memory_space<hbm>>
      tpu.wait_dma2 semaphore(%arg19 : memref<!tpu.dma_semaphore, #tpu.memory_space<semaphore_mem>>) src(%dma_wait3A_196 : memref<384xi32, #tpu.memory_space<hbm>>) dst(%arg15 : memref<384xi32, #tpu.memory_space<vmem>>)
      %dma_wait3A_197 = arith.constant 0 : i32
      %dma_wait3A_198 = arith.constant 0 : i32
      %dma_wait3A_199 = tpu.memref_slice %arg7[%dma_wait3A_197, %dma_wait3A_198] : memref<50048x32xf32, #tpu.memory_space<vmem_shared>> -> memref<50048x32xf32, #tpu.memory_space<vmem_shared>>
      tpu.wait_indirect_dma semaphore(%arg21 : memref<!tpu.dma_semaphore, #tpu.memory_space<semaphore_mem>>) src(%arg17 : memref<384x32xf32, #tpu.memory_space<vmem>>) dst(%dma_wait3A_199 : memref<50048x32xf32, #tpu.memory_space<vmem_shared>>)
      %not3A_200 = arith.constant true
      %not3A_201 = arith.xori %eq3A_150, %not3A_200 : i1
      %convert_element_type3A_202 = arith.extui %not3A_201 : i1 to i32
      %cond3A_203 = arith.constant 0 : i32
      %cond3A_204 = arith.cmpi ne, %convert_element_type3A_202, %cond3A_203 : i32
      scf.if %cond3A_204 {
        %add3A_220 = arith.constant 2 : i32
        %add3A_221 = arith.addi %add3A_153, %add3A_220 : i32
        %add3A_222 = arith.constant 1 : i32
        %add3A_223 = arith.addi %add3A_221, %add3A_222 : i32
        %dma_start3A_224 = arith.constant 0 : i32
        %dma_start3A_225 = tpu.memref_slice %arg3[%arg0, %add3A_223, %dma_start3A_224] : memref<2x2112x384xi32, #tpu.memory_space<hbm>> -> memref<1x1x384xi32, #tpu.memory_space<hbm>>
        %dma_start3A_226 = tpu.memref_squeeze %dma_start3A_225 : memref<1x1x384xi32, #tpu.memory_space<hbm>> -> memref<384xi32, #tpu.memory_space<hbm>>
        %dma_start3A_227 = arith.constant 0 : i32
        %dma_start3A_228 = tpu.memref_slice %arg3[%arg0, %add3A_223, %dma_start3A_227] : memref<2x2112x384xi32, #tpu.memory_space<hbm>> -> memref<1x1x384xi32, #tpu.memory_space<hbm>>
        %dma_start3A_229 = tpu.memref_squeeze %dma_start3A_228 : memref<1x1x384xi32, #tpu.memory_space<hbm>> -> memref<384xi32, #tpu.memory_space<hbm>>
        tpu.enqueue_dma source(%dma_start3A_229 : memref<384xi32, #tpu.memory_space<hbm>>) target(%arg9 : memref<384xi32, #tpu.memory_space<vmem>>) target_semaphore(%arg19 : memref<!tpu.dma_semaphore, #tpu.memory_space<semaphore_mem>>)
        %add3A_230 = arith.constant 1 : i32
        %add3A_231 = arith.addi %add3A_221, %add3A_230 : i32
        %dma_start3A_232 = arith.constant 0 : i32
        %dma_start3A_233 = tpu.memref_slice %arg4[%add3A_231, %dma_start3A_232] : memref<2112x384xi32, #tpu.memory_space<hbm>> -> memref<1x384xi32, #tpu.memory_space<hbm>>
        %dma_start3A_234 = tpu.memref_squeeze %dma_start3A_233 : memref<1x384xi32, #tpu.memory_space<hbm>> -> memref<384xi32, #tpu.memory_space<hbm>>
        %dma_start3A_235 = arith.constant 0 : i32
        %dma_start3A_236 = tpu.memref_slice %arg4[%add3A_231, %dma_start3A_235] : memref<2112x384xi32, #tpu.memory_space<hbm>> -> memref<1x384xi32, #tpu.memory_space<hbm>>
        %dma_start3A_237 = tpu.memref_squeeze %dma_start3A_236 : memref<1x384xi32, #tpu.memory_space<hbm>> -> memref<384xi32, #tpu.memory_space<hbm>>
        tpu.enqueue_dma source(%dma_start3A_237 : memref<384xi32, #tpu.memory_space<hbm>>) target(%arg13 : memref<384xi32, #tpu.memory_space<vmem>>) target_semaphore(%arg19 : memref<!tpu.dma_semaphore, #tpu.memory_space<semaphore_mem>>)
      } else {
      }
      %dma_start3A_205 = arith.constant 0 : i32
      %dma_start3A_206 = arith.constant 0 : i32
      %dma_start3A_207 = tpu.memref_slice %arg2[%dma_start3A_205, %dma_start3A_206] : memref<100096x32xf32, #tpu.memory_space<hbm>> -> memref<100096x32xf32, #tpu.memory_space<hbm>>
      tpu.enqueue_indirect_dma source(%dma_start3A_207 : memref<100096x32xf32, #tpu.memory_space<hbm>>) target(%arg17 : memref<384x32xf32, #tpu.memory_space<vmem>>) offsets(%arg11 : memref<384xi32, #tpu.memory_space<vmem>>) semaphore(%arg22 : memref<!tpu.dma_semaphore, #tpu.memory_space<semaphore_mem>>)
      %dma_wait3A_208 = arith.constant 0 : i32
      %dma_wait3A_209 = arith.constant 0 : i32
      %dma_wait3A_210 = tpu.memref_slice %arg2[%dma_wait3A_208, %dma_wait3A_209] : memref<100096x32xf32, #tpu.memory_space<hbm>> -> memref<100096x32xf32, #tpu.memory_space<hbm>>
      tpu.wait_indirect_dma semaphore(%arg22 : memref<!tpu.dma_semaphore, #tpu.memory_space<semaphore_mem>>) src(%dma_wait3A_210 : memref<100096x32xf32, #tpu.memory_space<hbm>>) dst(%arg16 : memref<384x32xf32, #tpu.memory_space<vmem>>)
      %dma_start3A_211 = arith.constant 0 : i32
      %dma_start3A_212 = arith.constant 0 : i32
      %dma_start3A_213 = tpu.memref_slice %arg7[%dma_start3A_211, %dma_start3A_212] : memref<50048x32xf32, #tpu.memory_space<vmem_shared>> -> memref<50048x32xf32, #tpu.memory_space<vmem_shared>>
      tpu.enqueue_indirect_dma source(%arg16 : memref<384x32xf32, #tpu.memory_space<vmem>>) target(%dma_start3A_213 : memref<50048x32xf32, #tpu.memory_space<vmem_shared>>) offsets(%arg14 : memref<384xi32, #tpu.memory_space<vmem>>) semaphore(%arg20 : memref<!tpu.dma_semaphore, #tpu.memory_space<semaphore_mem>>) {add = true}
      %dma_wait3A_214 = arith.constant 0 : i32
      %dma_wait3A_215 = arith.constant 0 : i32
      %dma_wait3A_216 = tpu.memref_slice %arg2[%dma_wait3A_214, %dma_wait3A_215] : memref<100096x32xf32, #tpu.memory_space<hbm>> -> memref<100096x32xf32, #tpu.memory_space<hbm>>
      tpu.wait_indirect_dma semaphore(%arg22 : memref<!tpu.dma_semaphore, #tpu.memory_space<semaphore_mem>>) src(%dma_wait3A_216 : memref<100096x32xf32, #tpu.memory_space<hbm>>) dst(%arg17 : memref<384x32xf32, #tpu.memory_space<vmem>>)
      %dma_start3A_217 = arith.constant 0 : i32
      %dma_start3A_218 = arith.constant 0 : i32
      %dma_start3A_219 = tpu.memref_slice %arg7[%dma_start3A_217, %dma_start3A_218] : memref<50048x32xf32, #tpu.memory_space<vmem_shared>> -> memref<50048x32xf32, #tpu.memory_space<vmem_shared>>
      tpu.enqueue_indirect_dma source(%arg17 : memref<384x32xf32, #tpu.memory_space<vmem>>) target(%dma_start3A_219 : memref<50048x32xf32, #tpu.memory_space<vmem_shared>>) offsets(%arg15 : memref<384xi32, #tpu.memory_space<vmem>>) semaphore(%arg21 : memref<!tpu.dma_semaphore, #tpu.memory_space<semaphore_mem>>) {add = true}
    }
    %scan3A_36 = arith.constant 33 : i32
    %dma_wait3A = arith.constant 0 : i32
    %dma_wait3A_37 = arith.constant 0 : i32
    %dma_wait3A_38 = tpu.memref_slice %arg7[%dma_wait3A, %dma_wait3A_37] : memref<50048x32xf32, #tpu.memory_space<vmem_shared>> -> memref<50048x32xf32, #tpu.memory_space<vmem_shared>>
    tpu.wait_indirect_dma semaphore(%arg20 : memref<!tpu.dma_semaphore, #tpu.memory_space<semaphore_mem>>) src(%arg16 : memref<384x32xf32, #tpu.memory_space<vmem>>) dst(%dma_wait3A_38 : memref<50048x32xf32, #tpu.memory_space<vmem_shared>>)
    %dma_wait3A_39 = arith.constant 0 : i32
    %dma_wait3A_40 = arith.constant 0 : i32
    %dma_wait3A_41 = tpu.memref_slice %arg7[%dma_wait3A_39, %dma_wait3A_40] : memref<50048x32xf32, #tpu.memory_space<vmem_shared>> -> memref<50048x32xf32, #tpu.memory_space<vmem_shared>>
    tpu.wait_indirect_dma semaphore(%arg21 : memref<!tpu.dma_semaphore, #tpu.memory_space<semaphore_mem>>) src(%arg17 : memref<384x32xf32, #tpu.memory_space<vmem>>) dst(%dma_wait3A_41 : memref<50048x32xf32, #tpu.memory_space<vmem_shared>>)
    %barrier3A_42 = arith.constant 0 : index
    tpu.barrier barrier_id(%barrier3A_42)
    "tpu.region"() ({
      %run_scoped3A = tpu.sem_alloc : memref<!tpu.dma_semaphore, #tpu.memory_space<semaphore_mem>>
      %dma_start3A_43 = arith.constant 0 : i32
      %dma_start3A_44 = tpu.memref_slice %arg6[%arg0, %mul3A_0, %dma_start3A_43] : memref<2x50048x32xf32, #tpu.memory_space<hbm>> -> memref<1x3128x32xf32, #tpu.memory_space<hbm>>
      %dma_start3A_45 = tpu.memref_squeeze %dma_start3A_44 : memref<1x3128x32xf32, #tpu.memory_space<hbm>> -> memref<3128x32xf32, #tpu.memory_space<hbm>>
      %dma_start3A_46 = arith.constant 0 : i32
      %dma_start3A_47 = tpu.memref_slice %arg7[%mul3A_0, %dma_start3A_46] : memref<50048x32xf32, #tpu.memory_space<vmem_shared>> -> memref<3128x32xf32, #tpu.memory_space<vmem_shared>>
      tpu.enqueue_dma source(%dma_start3A_47 : memref<3128x32xf32, #tpu.memory_space<vmem_shared>>) target(%dma_start3A_45 : memref<3128x32xf32, #tpu.memory_space<hbm>>) target_semaphore(%run_scoped3A : memref<!tpu.dma_semaphore, #tpu.memory_space<semaphore_mem>>)
      %dma_wait3A_48 = arith.constant 0 : i32
      %dma_wait3A_49 = tpu.memref_slice %arg6[%arg0, %mul3A_0, %dma_wait3A_48] : memref<2x50048x32xf32, #tpu.memory_space<hbm>> -> memref<1x3128x32xf32, #tpu.memory_space<hbm>>
      %dma_wait3A_50 = tpu.memref_squeeze %dma_wait3A_49 : memref<1x3128x32xf32, #tpu.memory_space<hbm>> -> memref<3128x32xf32, #tpu.memory_space<hbm>>
      %dma_wait3A_51 = arith.constant 0 : i32
      %dma_wait3A_52 = tpu.memref_slice %arg7[%mul3A_0, %dma_wait3A_51] : memref<50048x32xf32, #tpu.memory_space<vmem_shared>> -> memref<3128x32xf32, #tpu.memory_space<vmem_shared>>
      tpu.wait_dma2 semaphore(%run_scoped3A : memref<!tpu.dma_semaphore, #tpu.memory_space<semaphore_mem>>) src(%dma_wait3A_52 : memref<3128x32xf32, #tpu.memory_space<vmem_shared>>) dst(%dma_wait3A_50 : memref<3128x32xf32, #tpu.memory_space<hbm>>)
      tpu.yield
    }) : () -> ()
    return
  }
}

#map = affine_map<(d0, d1) -> (0, 0)>
#map1 = affine_map<(d0, d1) -> (0, 0, 0)>
module attributes {stable_mosaic.version = 14 : i64} {
  func.func @sage_seg_count(%arg0: i32, %arg1: i32, %arg2: memref<2112x384xi32, #tpu.memory_space<hbm>>, %arg3: memref<3128x16xf32, #tpu.memory_space<hbm>>, %arg4: memref<384x16xf32, #tpu.memory_space<hbm>>, %arg5: memref<2x50048x16xf32, #tpu.memory_space<hbm>>, %arg6: memref<50048x16xf32, #tpu.memory_space<vmem_shared>>, %arg7: memref<384xi32, #tpu.memory_space<vmem>>, %arg8: memref<384xi32, #tpu.memory_space<vmem>>, %arg9: memref<384x16xf32, #tpu.memory_space<vmem>>, %arg10: memref<!tpu.dma_semaphore, #tpu.memory_space<semaphore_mem>>, %arg11: memref<!tpu.dma_semaphore, #tpu.memory_space<semaphore_mem>>, %arg12: memref<!tpu.dma_semaphore, #tpu.memory_space<semaphore_mem>>, %arg13: memref<!tpu.dma_semaphore, #tpu.memory_space<semaphore_mem>>) attributes {dimension_semantics = [#tpu.dimension_semantics<core_parallel>, #tpu.dimension_semantics<subcore_parallel>], iteration_bounds = array<i64: 2, 16>, scalar_prefetch = 0 : i64, scratch_operands = 8 : i64, tpu.core_type = #tpu.core_type<sc_vector_subcore>, window_params = [{transform_indices = #map}, {transform_indices = #map}, {transform_indices = #map}, {transform_indices = #map1}]} {
    %mul3A = arith.constant 3128 : i32
    %mul3A_0 = arith.muli %arg1, %mul3A : i32
    "tpu.region"() ({
      %run_scoped3A = tpu.sem_alloc : memref<!tpu.dma_semaphore, #tpu.memory_space<semaphore_mem>>
      %dma_start3A_19 = arith.constant 0 : i32
      %dma_start3A_20 = tpu.memref_slice %arg6[%mul3A_0, %dma_start3A_19] : memref<50048x16xf32, #tpu.memory_space<vmem_shared>> -> memref<3128x16xf32, #tpu.memory_space<vmem_shared>>
      tpu.enqueue_dma source(%arg3 : memref<3128x16xf32, #tpu.memory_space<hbm>>) target(%dma_start3A_20 : memref<3128x16xf32, #tpu.memory_space<vmem_shared>>) target_semaphore(%run_scoped3A : memref<!tpu.dma_semaphore, #tpu.memory_space<semaphore_mem>>)
      %dma_wait3A_21 = arith.constant 0 : i32
      %dma_wait3A_22 = tpu.memref_slice %arg6[%mul3A_0, %dma_wait3A_21] : memref<50048x16xf32, #tpu.memory_space<vmem_shared>> -> memref<3128x16xf32, #tpu.memory_space<vmem_shared>>
      tpu.wait_dma2 semaphore(%run_scoped3A : memref<!tpu.dma_semaphore, #tpu.memory_space<semaphore_mem>>) src(%arg3 : memref<3128x16xf32, #tpu.memory_space<hbm>>) dst(%dma_wait3A_22 : memref<3128x16xf32, #tpu.memory_space<vmem_shared>>)
      tpu.yield
    }) : () -> ()
    "tpu.region"() ({
      %run_scoped3A = tpu.sem_alloc : memref<!tpu.dma_semaphore, #tpu.memory_space<semaphore_mem>>
      tpu.enqueue_dma source(%arg4 : memref<384x16xf32, #tpu.memory_space<hbm>>) target(%arg9 : memref<384x16xf32, #tpu.memory_space<vmem>>) target_semaphore(%run_scoped3A : memref<!tpu.dma_semaphore, #tpu.memory_space<semaphore_mem>>)
      tpu.wait_dma2 semaphore(%run_scoped3A : memref<!tpu.dma_semaphore, #tpu.memory_space<semaphore_mem>>) src(%arg4 : memref<384x16xf32, #tpu.memory_space<hbm>>) dst(%arg9 : memref<384x16xf32, #tpu.memory_space<vmem>>)
      tpu.yield
    }) : () -> ()
    %barrier3A = arith.constant 0 : index
    tpu.barrier barrier_id(%barrier3A)
    %mul3A_1 = arith.constant 66 : i32
    %mul3A_2 = arith.muli %arg1, %mul3A_1 : i32
    %mul3A_3 = arith.constant 16 : i32
    %mul3A_4 = arith.muli %arg0, %mul3A_3 : i32
    %add3A = arith.addi %mul3A_4, %arg1 : i32
    %mul3A_5 = arith.constant 66 : i32
    %mul3A_6 = arith.muli %add3A, %mul3A_5 : i32
    %dma_start3A = arith.constant 0 : i32
    %dma_start3A_7 = tpu.memref_slice %arg2[%mul3A_6, %dma_start3A] : memref<2112x384xi32, #tpu.memory_space<hbm>> -> memref<1x384xi32, #tpu.memory_space<hbm>>
    %dma_start3A_8 = tpu.memref_squeeze %dma_start3A_7 : memref<1x384xi32, #tpu.memory_space<hbm>> -> memref<384xi32, #tpu.memory_space<hbm>>
    %dma_start3A_9 = arith.constant 0 : i32
    %dma_start3A_10 = tpu.memref_slice %arg2[%mul3A_6, %dma_start3A_9] : memref<2112x384xi32, #tpu.memory_space<hbm>> -> memref<1x384xi32, #tpu.memory_space<hbm>>
    %dma_start3A_11 = tpu.memref_squeeze %dma_start3A_10 : memref<1x384xi32, #tpu.memory_space<hbm>> -> memref<384xi32, #tpu.memory_space<hbm>>
    tpu.enqueue_dma source(%dma_start3A_11 : memref<384xi32, #tpu.memory_space<hbm>>) target(%arg7 : memref<384xi32, #tpu.memory_space<vmem>>) target_semaphore(%arg10 : memref<!tpu.dma_semaphore, #tpu.memory_space<semaphore_mem>>)
    %scan3A = arith.constant 0 : i32
    %scan3A_12 = arith.constant 33 : i32
    %scan3A_13 = arith.addi %scan3A, %scan3A_12 : i32
    %scan3A_14 = arith.constant 1 : i32
    scf.for %scan3A_19 = %scan3A to %scan3A_13 step %scan3A_14  : i32 {
      %mul3A_20 = arith.constant 1 : i32
      %mul3A_21 = arith.muli %scan3A_19, %mul3A_20 : i32
      %add3A_22 = arith.constant 0 : i32
      %add3A_23 = arith.addi %add3A_22, %mul3A_21 : i32
      %mul3A_24 = arith.constant 2 : i32
      %mul3A_25 = arith.muli %mul3A_24, %add3A_23 : i32
      %eq3A = arith.constant 0 : i32
      %eq3A_26 = arith.cmpi eq, %add3A_23, %eq3A : i32
      %add3A_27 = arith.addi %mul3A_6, %mul3A_25 : i32
      %dma_wait3A_28 = arith.constant 0 : i32
      %dma_wait3A_29 = tpu.memref_slice %arg2[%add3A_27, %dma_wait3A_28] : memref<2112x384xi32, #tpu.memory_space<hbm>> -> memref<1x384xi32, #tpu.memory_space<hbm>>
      %dma_wait3A_30 = tpu.memref_squeeze %dma_wait3A_29 : memref<1x384xi32, #tpu.memory_space<hbm>> -> memref<384xi32, #tpu.memory_space<hbm>>
      %dma_wait3A_31 = arith.constant 0 : i32
      %dma_wait3A_32 = tpu.memref_slice %arg2[%add3A_27, %dma_wait3A_31] : memref<2112x384xi32, #tpu.memory_space<hbm>> -> memref<1x384xi32, #tpu.memory_space<hbm>>
      %dma_wait3A_33 = tpu.memref_squeeze %dma_wait3A_32 : memref<1x384xi32, #tpu.memory_space<hbm>> -> memref<384xi32, #tpu.memory_space<hbm>>
      tpu.wait_dma2 semaphore(%arg10 : memref<!tpu.dma_semaphore, #tpu.memory_space<semaphore_mem>>) src(%dma_wait3A_33 : memref<384xi32, #tpu.memory_space<hbm>>) dst(%arg7 : memref<384xi32, #tpu.memory_space<vmem>>)
      %not3A = arith.constant true
      %not3A_34 = arith.xori %eq3A_26, %not3A : i1
      %convert_element_type3A = arith.extui %not3A_34 : i1 to i32
      %cond3A = arith.constant 0 : i32
      %cond3A_35 = arith.cmpi ne, %convert_element_type3A, %cond3A : i32
      scf.if %cond3A_35 {
        %dma_wait3A_70 = arith.constant 0 : i32
        %dma_wait3A_71 = arith.constant 0 : i32
        %dma_wait3A_72 = tpu.memref_slice %arg6[%dma_wait3A_70, %dma_wait3A_71] : memref<50048x16xf32, #tpu.memory_space<vmem_shared>> -> memref<50048x16xf32, #tpu.memory_space<vmem_shared>>
        tpu.wait_indirect_dma semaphore(%arg13 : memref<!tpu.dma_semaphore, #tpu.memory_space<semaphore_mem>>) src(%arg9 : memref<384x16xf32, #tpu.memory_space<vmem>>) dst(%dma_wait3A_72 : memref<50048x16xf32, #tpu.memory_space<vmem_shared>>)
      } else {
      }
      %add3A_36 = arith.addi %mul3A_6, %mul3A_25 : i32
      %add3A_37 = arith.constant 1 : i32
      %add3A_38 = arith.addi %add3A_36, %add3A_37 : i32
      %dma_start3A_39 = arith.constant 0 : i32
      %dma_start3A_40 = tpu.memref_slice %arg2[%add3A_38, %dma_start3A_39] : memref<2112x384xi32, #tpu.memory_space<hbm>> -> memref<1x384xi32, #tpu.memory_space<hbm>>
      %dma_start3A_41 = tpu.memref_squeeze %dma_start3A_40 : memref<1x384xi32, #tpu.memory_space<hbm>> -> memref<384xi32, #tpu.memory_space<hbm>>
      %dma_start3A_42 = arith.constant 0 : i32
      %dma_start3A_43 = tpu.memref_slice %arg2[%add3A_38, %dma_start3A_42] : memref<2112x384xi32, #tpu.memory_space<hbm>> -> memref<1x384xi32, #tpu.memory_space<hbm>>
      %dma_start3A_44 = tpu.memref_squeeze %dma_start3A_43 : memref<1x384xi32, #tpu.memory_space<hbm>> -> memref<384xi32, #tpu.memory_space<hbm>>
      tpu.enqueue_dma source(%dma_start3A_44 : memref<384xi32, #tpu.memory_space<hbm>>) target(%arg8 : memref<384xi32, #tpu.memory_space<vmem>>) target_semaphore(%arg11 : memref<!tpu.dma_semaphore, #tpu.memory_space<semaphore_mem>>)
      %dma_start3A_45 = arith.constant 0 : i32
      %dma_start3A_46 = arith.constant 0 : i32
      %dma_start3A_47 = tpu.memref_slice %arg6[%dma_start3A_45, %dma_start3A_46] : memref<50048x16xf32, #tpu.memory_space<vmem_shared>> -> memref<50048x16xf32, #tpu.memory_space<vmem_shared>>
      tpu.enqueue_indirect_dma source(%arg9 : memref<384x16xf32, #tpu.memory_space<vmem>>) target(%dma_start3A_47 : memref<50048x16xf32, #tpu.memory_space<vmem_shared>>) offsets(%arg7 : memref<384xi32, #tpu.memory_space<vmem>>) semaphore(%arg12 : memref<!tpu.dma_semaphore, #tpu.memory_space<semaphore_mem>>) {add = true}
      %add3A_48 = arith.constant 1 : i32
      %add3A_49 = arith.addi %mul3A_25, %add3A_48 : i32
      %eq3A_50 = arith.constant 32 : i32
      %eq3A_51 = arith.cmpi eq, %add3A_23, %eq3A_50 : i32
      %add3A_52 = arith.addi %mul3A_6, %add3A_49 : i32
      %dma_wait3A_53 = arith.constant 0 : i32
      %dma_wait3A_54 = tpu.memref_slice %arg2[%add3A_52, %dma_wait3A_53] : memref<2112x384xi32, #tpu.memory_space<hbm>> -> memref<1x384xi32, #tpu.memory_space<hbm>>
      %dma_wait3A_55 = tpu.memref_squeeze %dma_wait3A_54 : memref<1x384xi32, #tpu.memory_space<hbm>> -> memref<384xi32, #tpu.memory_space<hbm>>
      %dma_wait3A_56 = arith.constant 0 : i32
      %dma_wait3A_57 = tpu.memref_slice %arg2[%add3A_52, %dma_wait3A_56] : memref<2112x384xi32, #tpu.memory_space<hbm>> -> memref<1x384xi32, #tpu.memory_space<hbm>>
      %dma_wait3A_58 = tpu.memref_squeeze %dma_wait3A_57 : memref<1x384xi32, #tpu.memory_space<hbm>> -> memref<384xi32, #tpu.memory_space<hbm>>
      tpu.wait_dma2 semaphore(%arg11 : memref<!tpu.dma_semaphore, #tpu.memory_space<semaphore_mem>>) src(%dma_wait3A_58 : memref<384xi32, #tpu.memory_space<hbm>>) dst(%arg8 : memref<384xi32, #tpu.memory_space<vmem>>)
      %dma_wait3A_59 = arith.constant 0 : i32
      %dma_wait3A_60 = arith.constant 0 : i32
      %dma_wait3A_61 = tpu.memref_slice %arg6[%dma_wait3A_59, %dma_wait3A_60] : memref<50048x16xf32, #tpu.memory_space<vmem_shared>> -> memref<50048x16xf32, #tpu.memory_space<vmem_shared>>
      tpu.wait_indirect_dma semaphore(%arg12 : memref<!tpu.dma_semaphore, #tpu.memory_space<semaphore_mem>>) src(%arg9 : memref<384x16xf32, #tpu.memory_space<vmem>>) dst(%dma_wait3A_61 : memref<50048x16xf32, #tpu.memory_space<vmem_shared>>)
      %not3A_62 = arith.constant true
      %not3A_63 = arith.xori %eq3A_51, %not3A_62 : i1
      %convert_element_type3A_64 = arith.extui %not3A_63 : i1 to i32
      %cond3A_65 = arith.constant 0 : i32
      %cond3A_66 = arith.cmpi ne, %convert_element_type3A_64, %cond3A_65 : i32
      scf.if %cond3A_66 {
        %add3A_70 = arith.addi %mul3A_6, %add3A_49 : i32
        %add3A_71 = arith.constant 1 : i32
        %add3A_72 = arith.addi %add3A_70, %add3A_71 : i32
        %dma_start3A_73 = arith.constant 0 : i32
        %dma_start3A_74 = tpu.memref_slice %arg2[%add3A_72, %dma_start3A_73] : memref<2112x384xi32, #tpu.memory_space<hbm>> -> memref<1x384xi32, #tpu.memory_space<hbm>>
        %dma_start3A_75 = tpu.memref_squeeze %dma_start3A_74 : memref<1x384xi32, #tpu.memory_space<hbm>> -> memref<384xi32, #tpu.memory_space<hbm>>
        %dma_start3A_76 = arith.constant 0 : i32
        %dma_start3A_77 = tpu.memref_slice %arg2[%add3A_72, %dma_start3A_76] : memref<2112x384xi32, #tpu.memory_space<hbm>> -> memref<1x384xi32, #tpu.memory_space<hbm>>
        %dma_start3A_78 = tpu.memref_squeeze %dma_start3A_77 : memref<1x384xi32, #tpu.memory_space<hbm>> -> memref<384xi32, #tpu.memory_space<hbm>>
        tpu.enqueue_dma source(%dma_start3A_78 : memref<384xi32, #tpu.memory_space<hbm>>) target(%arg7 : memref<384xi32, #tpu.memory_space<vmem>>) target_semaphore(%arg10 : memref<!tpu.dma_semaphore, #tpu.memory_space<semaphore_mem>>)
      } else {
      }
      %dma_start3A_67 = arith.constant 0 : i32
      %dma_start3A_68 = arith.constant 0 : i32
      %dma_start3A_69 = tpu.memref_slice %arg6[%dma_start3A_67, %dma_start3A_68] : memref<50048x16xf32, #tpu.memory_space<vmem_shared>> -> memref<50048x16xf32, #tpu.memory_space<vmem_shared>>
      tpu.enqueue_indirect_dma source(%arg9 : memref<384x16xf32, #tpu.memory_space<vmem>>) target(%dma_start3A_69 : memref<50048x16xf32, #tpu.memory_space<vmem_shared>>) offsets(%arg8 : memref<384xi32, #tpu.memory_space<vmem>>) semaphore(%arg13 : memref<!tpu.dma_semaphore, #tpu.memory_space<semaphore_mem>>) {add = true}
    }
    %scan3A_15 = arith.constant 33 : i32
    %dma_wait3A = arith.constant 0 : i32
    %dma_wait3A_16 = arith.constant 0 : i32
    %dma_wait3A_17 = tpu.memref_slice %arg6[%dma_wait3A, %dma_wait3A_16] : memref<50048x16xf32, #tpu.memory_space<vmem_shared>> -> memref<50048x16xf32, #tpu.memory_space<vmem_shared>>
    tpu.wait_indirect_dma semaphore(%arg13 : memref<!tpu.dma_semaphore, #tpu.memory_space<semaphore_mem>>) src(%arg9 : memref<384x16xf32, #tpu.memory_space<vmem>>) dst(%dma_wait3A_17 : memref<50048x16xf32, #tpu.memory_space<vmem_shared>>)
    %barrier3A_18 = arith.constant 0 : index
    tpu.barrier barrier_id(%barrier3A_18)
    "tpu.region"() ({
      %run_scoped3A = tpu.sem_alloc : memref<!tpu.dma_semaphore, #tpu.memory_space<semaphore_mem>>
      %dma_start3A_19 = arith.constant 0 : i32
      %dma_start3A_20 = tpu.memref_slice %arg5[%arg0, %mul3A_0, %dma_start3A_19] : memref<2x50048x16xf32, #tpu.memory_space<hbm>> -> memref<1x3128x16xf32, #tpu.memory_space<hbm>>
      %dma_start3A_21 = tpu.memref_squeeze %dma_start3A_20 : memref<1x3128x16xf32, #tpu.memory_space<hbm>> -> memref<3128x16xf32, #tpu.memory_space<hbm>>
      %dma_start3A_22 = arith.constant 0 : i32
      %dma_start3A_23 = tpu.memref_slice %arg6[%mul3A_0, %dma_start3A_22] : memref<50048x16xf32, #tpu.memory_space<vmem_shared>> -> memref<3128x16xf32, #tpu.memory_space<vmem_shared>>
      tpu.enqueue_dma source(%dma_start3A_23 : memref<3128x16xf32, #tpu.memory_space<vmem_shared>>) target(%dma_start3A_21 : memref<3128x16xf32, #tpu.memory_space<hbm>>) target_semaphore(%run_scoped3A : memref<!tpu.dma_semaphore, #tpu.memory_space<semaphore_mem>>)
      %dma_wait3A_24 = arith.constant 0 : i32
      %dma_wait3A_25 = tpu.memref_slice %arg5[%arg0, %mul3A_0, %dma_wait3A_24] : memref<2x50048x16xf32, #tpu.memory_space<hbm>> -> memref<1x3128x16xf32, #tpu.memory_space<hbm>>
      %dma_wait3A_26 = tpu.memref_squeeze %dma_wait3A_25 : memref<1x3128x16xf32, #tpu.memory_space<hbm>> -> memref<3128x16xf32, #tpu.memory_space<hbm>>
      %dma_wait3A_27 = arith.constant 0 : i32
      %dma_wait3A_28 = tpu.memref_slice %arg6[%mul3A_0, %dma_wait3A_27] : memref<50048x16xf32, #tpu.memory_space<vmem_shared>> -> memref<3128x16xf32, #tpu.memory_space<vmem_shared>>
      tpu.wait_dma2 semaphore(%run_scoped3A : memref<!tpu.dma_semaphore, #tpu.memory_space<semaphore_mem>>) src(%dma_wait3A_28 : memref<3128x16xf32, #tpu.memory_space<vmem_shared>>) dst(%dma_wait3A_26 : memref<3128x16xf32, #tpu.memory_space<hbm>>)
      tpu.yield
    }) : () -> ()
    return
  }
}

module attributes {stable_mosaic.version = 14 : i64} {
  func.func @_tc1_body(%arg0: i32, %arg1: memref<2x3128x32xf32, #tpu.memory_space<vmem>>, %arg2: memref<2x3128x16xf32, #tpu.memory_space<vmem>>, %arg3: memref<3128x64xf32, #tpu.memory_space<vmem>>, %arg4: memref<64x128xf32, #tpu.memory_space<vmem>>, %arg5: memref<1x128xf32, #tpu.memory_space<vmem>>, %arg6: memref<64x128xf32, #tpu.memory_space<vmem>>, %arg7: memref<128x64xf32, #tpu.memory_space<vmem>>, %arg8: memref<3128x128xf32, #tpu.memory_space<vmem>>, %arg9: memref<2x3128x32xf32, #tpu.memory_space<vmem>>) attributes {dimension_semantics = [#tpu.dimension_semantics<arbitrary>], iteration_bounds = array<i64: 16>, scalar_prefetch = 0 : i64, scratch_operands = 0 : i64, tpu.core_type = #tpu.core_type<tc>, window_params = [{transform_indices = @transform_0, window_bounds = array<i64: 2, 3128, 32>}, {transform_indices = @transform_1, window_bounds = array<i64: 2, 3128, 16>}, {transform_indices = @transform_2, window_bounds = array<i64: 3128, 64>}, {pipeline_mode = #tpu.pipeline_mode<synchronous>, transform_indices = @transform_3, window_bounds = array<i64: 64, 128>}, {pipeline_mode = #tpu.pipeline_mode<synchronous>, transform_indices = @transform_4, window_bounds = array<i64: 1, 128>}, {pipeline_mode = #tpu.pipeline_mode<synchronous>, transform_indices = @transform_5, window_bounds = array<i64: 64, 128>}, {pipeline_mode = #tpu.pipeline_mode<synchronous>, transform_indices = @transform_6, window_bounds = array<i64: 128, 64>}, {transform_indices = @transform_7, window_bounds = array<i64: 3128, 128>}, {transform_indices = @transform_8, window_bounds = array<i64: 2, 3128, 32>}]} {
    %get3A = arith.constant 0 : index
    %get3A_0 = arith.constant 0 : index
    %get3A_1 = arith.constant 0 : index
    %get3A_2 = vector.load %arg2[%get3A, %get3A_0, %get3A_1] : memref<2x3128x16xf32, #tpu.memory_space<vmem>>, vector<1x3128x1xf32>
    %get3A_3 = vector.shape_cast %get3A_2 : vector<1x3128x1xf32> to vector<3128x1xf32>
    %get3A_4 = arith.constant 1 : index
    %get3A_5 = arith.constant 0 : index
    %get3A_6 = arith.constant 0 : index
    %get3A_7 = vector.load %arg2[%get3A_4, %get3A_5, %get3A_6] : memref<2x3128x16xf32, #tpu.memory_space<vmem>>, vector<1x3128x1xf32>
    %get3A_8 = vector.shape_cast %get3A_7 : vector<1x3128x1xf32> to vector<3128x1xf32>
    %add3A = arith.addf %get3A_3, %get3A_8 : vector<3128x1xf32>
    %max3A = arith.constant 1.000000e+00 : f32
    %max3A_9 = vector.broadcast %max3A : f32 to vector<3128x1xf32>
    %max3A_10 = arith.maximumf %add3A, %max3A_9 : vector<3128x1xf32>
    %div3A = arith.constant 1.000000e+00 : f32
    %div3A_11 = vector.broadcast %div3A : f32 to vector<3128x1xf32>
    %div3A_12 = arith.divf %div3A_11, %max3A_10 : vector<3128x1xf32>
    %get3A_13 = arith.constant 0 : index
    %get3A_14 = arith.constant 0 : index
    %get3A_15 = arith.constant 0 : index
    %get3A_16 = vector.load %arg1[%get3A_13, %get3A_14, %get3A_15] : memref<2x3128x32xf32, #tpu.memory_space<vmem>>, vector<1x3128x32xf32>
    %get3A_17 = vector.shape_cast %get3A_16 : vector<1x3128x32xf32> to vector<3128x32xf32>
    %get3A_18 = arith.constant 1 : index
    %get3A_19 = arith.constant 0 : index
    %get3A_20 = arith.constant 0 : index
    %get3A_21 = vector.load %arg1[%get3A_18, %get3A_19, %get3A_20] : memref<2x3128x32xf32, #tpu.memory_space<vmem>>, vector<1x3128x32xf32>
    %get3A_22 = vector.shape_cast %get3A_21 : vector<1x3128x32xf32> to vector<3128x32xf32>
    %concatenate3A = tpu.concatenate %get3A_17, %get3A_22 in 1 : vector<3128x32xf32>, vector<3128x32xf32> -> vector<3128x64xf32>
    %mul3A = vector.broadcast %div3A_12 : vector<3128x1xf32> to vector<3128x64xf32>
    %mul3A_23 = arith.mulf %concatenate3A, %mul3A : vector<3128x64xf32>
    %get3A_24 = arith.constant 0 : index
    %get3A_25 = arith.constant 0 : index
    %get3A_26 = vector.load %arg4[%get3A_24, %get3A_25] : memref<64x128xf32, #tpu.memory_space<vmem>>, vector<64x128xf32>
    %dot_general3A = arith.constant dense<0.000000e+00> : vector<3128x128xf32>
    %dot_general3A_27 = tpu.matmul %mul3A_23, %get3A_26, %dot_general3A {dimension_numbers = #tpu.dot_dimension_numbers<[1], [0], [0], [1], [0, 0, 1, 1], [], []>, transpose_lhs_hint = false} : vector<3128x64xf32>, vector<64x128xf32>, vector<3128x128xf32> -> vector<3128x128xf32>
    %get3A_28 = arith.constant 0 : index
    %get3A_29 = arith.constant 0 : index
    %get3A_30 = vector.load %arg5[%get3A_28, %get3A_29] : memref<1x128xf32, #tpu.memory_space<vmem>>, vector<1x128xf32>
    %add3A_31 = vector.broadcast %get3A_30 : vector<1x128xf32> to vector<3128x128xf32>
    %add3A_32 = arith.addf %dot_general3A_27, %add3A_31 : vector<3128x128xf32>
    %get3A_33 = arith.constant 0 : index
    %get3A_34 = arith.constant 0 : index
    %get3A_35 = vector.load %arg3[%get3A_33, %get3A_34] : memref<3128x64xf32, #tpu.memory_space<vmem>>, vector<3128x64xf32>
    %get3A_36 = arith.constant 0 : index
    %get3A_37 = arith.constant 0 : index
    %get3A_38 = vector.load %arg6[%get3A_36, %get3A_37] : memref<64x128xf32, #tpu.memory_space<vmem>>, vector<64x128xf32>
    %dot_general3A_39 = arith.constant dense<0.000000e+00> : vector<3128x128xf32>
    %dot_general3A_40 = tpu.matmul %get3A_35, %get3A_38, %dot_general3A_39 {dimension_numbers = #tpu.dot_dimension_numbers<[1], [0], [0], [1], [0, 0, 1, 1], [], []>, transpose_lhs_hint = false} : vector<3128x64xf32>, vector<64x128xf32>, vector<3128x128xf32> -> vector<3128x128xf32>
    %add3A_41 = arith.addf %add3A_32, %dot_general3A_40 : vector<3128x128xf32>
    %max3A_42 = arith.constant 0.000000e+00 : f32
    %max3A_43 = vector.broadcast %max3A_42 : f32 to vector<3128x128xf32>
    %max3A_44 = arith.maximumf %add3A_41, %max3A_43 : vector<3128x128xf32>
    %swap3A = arith.constant 0 : index
    %swap3A_45 = arith.constant 0 : index
    %swap3A_46 = vector.load %arg8[%swap3A, %swap3A_45] : memref<3128x128xf32, #tpu.memory_space<vmem>>, vector<3128x128xf32>
    tpu.vector_store %arg8[%swap3A, %swap3A_45], %max3A_44 {strides = array<i32>} : memref<3128x128xf32, #tpu.memory_space<vmem>>, vector<3128x128xf32>,
    %get3A_47 = arith.constant 0 : index
    %get3A_48 = arith.constant 0 : index
    %get3A_49 = vector.load %arg7[%get3A_47, %get3A_48] : memref<128x64xf32, #tpu.memory_space<vmem>>, vector<128x64xf32>
    %dot_general3A_50 = arith.constant dense<0.000000e+00> : vector<3128x64xf32>
    %dot_general3A_51 = tpu.matmul %max3A_44, %get3A_49, %dot_general3A_50 {dimension_numbers = #tpu.dot_dimension_numbers<[1], [0], [0], [1], [0, 0, 1, 1], [], []>, transpose_lhs_hint = false} : vector<3128x128xf32>, vector<128x64xf32>, vector<3128x64xf32> -> vector<3128x64xf32>
    %slice3A = vector.extract_strided_slice %dot_general3A_51 {offsets = [0, 0], sizes = [3128, 32], strides = [1, 1]} : vector<3128x64xf32> to vector<3128x32xf32>
    %swap3A_52 = arith.constant 0 : index
    %swap3A_53 = arith.constant 0 : index
    %swap3A_54 = arith.constant 0 : index
    %swap3A_55 = vector.load %arg9[%swap3A_52, %swap3A_53, %swap3A_54] : memref<2x3128x32xf32, #tpu.memory_space<vmem>>, vector<1x3128x32xf32>
    %swap3A_56 = vector.shape_cast %swap3A_55 : vector<1x3128x32xf32> to vector<3128x32xf32>
    %swap3A_57 = vector.shape_cast %slice3A : vector<3128x32xf32> to vector<1x3128x32xf32>
    tpu.vector_store %arg9[%swap3A_52, %swap3A_53, %swap3A_54], %swap3A_57 {strides = array<i32>} : memref<2x3128x32xf32, #tpu.memory_space<vmem>>, vector<1x3128x32xf32>,
    %slice3A_58 = vector.extract_strided_slice %dot_general3A_51 {offsets = [0, 32], sizes = [3128, 32], strides = [1, 1]} : vector<3128x64xf32> to vector<3128x32xf32>
    %swap3A_59 = arith.constant 1 : index
    %swap3A_60 = arith.constant 0 : index
    %swap3A_61 = arith.constant 0 : index
    %swap3A_62 = vector.load %arg9[%swap3A_59, %swap3A_60, %swap3A_61] : memref<2x3128x32xf32, #tpu.memory_space<vmem>>, vector<1x3128x32xf32>
    %swap3A_63 = vector.shape_cast %swap3A_62 : vector<1x3128x32xf32> to vector<3128x32xf32>
    %swap3A_64 = vector.shape_cast %slice3A_58 : vector<3128x32xf32> to vector<1x3128x32xf32>
    tpu.vector_store %arg9[%swap3A_59, %swap3A_60, %swap3A_61], %swap3A_64 {strides = array<i32>} : memref<2x3128x32xf32, #tpu.memory_space<vmem>>, vector<1x3128x32xf32>,
    return
  }
  func.func @transform_0(%arg0: i32) -> (i32, i32, i32) {
    %c0_i32 = arith.constant 0 : i32
    %c0_i32_0 = arith.constant 0 : i32
    %c0_i32_1 = arith.constant 0 : i32
    return %c0_i32, %arg0, %c0_i32_0 : i32, i32, i32
  }
  func.func @transform_1(%arg0: i32) -> (i32, i32, i32) {
    %c0_i32 = arith.constant 0 : i32
    %c0_i32_0 = arith.constant 0 : i32
    %c0_i32_1 = arith.constant 0 : i32
    return %c0_i32, %arg0, %c0_i32_0 : i32, i32, i32
  }
  func.func @transform_2(%arg0: i32) -> (i32, i32) {
    %c0_i32 = arith.constant 0 : i32
    %c0_i32_0 = arith.constant 0 : i32
    return %arg0, %c0_i32 : i32, i32
  }
  func.func @transform_3(%arg0: i32) -> (i32, i32) {
    %c0_i32 = arith.constant 0 : i32
    %c0_i32_0 = arith.constant 0 : i32
    %c0_i32_1 = arith.constant 0 : i32
    return %c0_i32, %c0_i32_0 : i32, i32
  }
  func.func @transform_4(%arg0: i32) -> (i32, i32) {
    %c0_i32 = arith.constant 0 : i32
    %c0_i32_0 = arith.constant 0 : i32
    %c0_i32_1 = arith.constant 0 : i32
    return %c0_i32, %c0_i32_0 : i32, i32
  }
  func.func @transform_5(%arg0: i32) -> (i32, i32) {
    %c0_i32 = arith.constant 0 : i32
    %c0_i32_0 = arith.constant 0 : i32
    %c0_i32_1 = arith.constant 0 : i32
    return %c0_i32, %c0_i32_0 : i32, i32
  }
  func.func @transform_6(%arg0: i32) -> (i32, i32) {
    %c0_i32 = arith.constant 0 : i32
    %c0_i32_0 = arith.constant 0 : i32
    %c0_i32_1 = arith.constant 0 : i32
    return %c0_i32, %c0_i32_0 : i32, i32
  }
  func.func @transform_7(%arg0: i32) -> (i32, i32) {
    %c0_i32 = arith.constant 0 : i32
    %c0_i32_0 = arith.constant 0 : i32
    return %arg0, %c0_i32 : i32, i32
  }
  func.func @transform_8(%arg0: i32) -> (i32, i32, i32) {
    %c0_i32 = arith.constant 0 : i32
    %c0_i32_0 = arith.constant 0 : i32
    %c0_i32_1 = arith.constant 0 : i32
    return %c0_i32, %arg0, %c0_i32_0 : i32, i32, i32
  }
}

module attributes {stable_mosaic.version = 14 : i64} {
  func.func @_tc2_body(%arg0: i32, %arg1: memref<2x3128x32xf32, #tpu.memory_space<vmem>>, %arg2: memref<2x3128x16xf32, #tpu.memory_space<vmem>>, %arg3: memref<3128x128xf32, #tpu.memory_space<vmem>>, %arg4: memref<128x64xf32, #tpu.memory_space<vmem>>, %arg5: memref<1x64xf32, #tpu.memory_space<vmem>>, %arg6: memref<3128x64xf32, #tpu.memory_space<vmem>>) attributes {dimension_semantics = [#tpu.dimension_semantics<arbitrary>], iteration_bounds = array<i64: 16>, scalar_prefetch = 0 : i64, scratch_operands = 0 : i64, tpu.core_type = #tpu.core_type<tc>, window_params = [{transform_indices = @transform_0, window_bounds = array<i64: 2, 3128, 32>}, {transform_indices = @transform_1, window_bounds = array<i64: 2, 3128, 16>}, {transform_indices = @transform_2, window_bounds = array<i64: 3128, 128>}, {pipeline_mode = #tpu.pipeline_mode<synchronous>, transform_indices = @transform_3, window_bounds = array<i64: 128, 64>}, {pipeline_mode = #tpu.pipeline_mode<synchronous>, transform_indices = @transform_4, window_bounds = array<i64: 1, 64>}, {transform_indices = @transform_5, window_bounds = array<i64: 3128, 64>}]} {
    %get3A = arith.constant 0 : index
    %get3A_0 = arith.constant 0 : index
    %get3A_1 = arith.constant 0 : index
    %get3A_2 = vector.load %arg2[%get3A, %get3A_0, %get3A_1] : memref<2x3128x16xf32, #tpu.memory_space<vmem>>, vector<1x3128x1xf32>
    %get3A_3 = vector.shape_cast %get3A_2 : vector<1x3128x1xf32> to vector<3128x1xf32>
    %get3A_4 = arith.constant 1 : index
    %get3A_5 = arith.constant 0 : index
    %get3A_6 = arith.constant 0 : index
    %get3A_7 = vector.load %arg2[%get3A_4, %get3A_5, %get3A_6] : memref<2x3128x16xf32, #tpu.memory_space<vmem>>, vector<1x3128x1xf32>
    %get3A_8 = vector.shape_cast %get3A_7 : vector<1x3128x1xf32> to vector<3128x1xf32>
    %add3A = arith.addf %get3A_3, %get3A_8 : vector<3128x1xf32>
    %max3A = arith.constant 1.000000e+00 : f32
    %max3A_9 = vector.broadcast %max3A : f32 to vector<3128x1xf32>
    %max3A_10 = arith.maximumf %add3A, %max3A_9 : vector<3128x1xf32>
    %div3A = arith.constant 1.000000e+00 : f32
    %div3A_11 = vector.broadcast %div3A : f32 to vector<3128x1xf32>
    %div3A_12 = arith.divf %div3A_11, %max3A_10 : vector<3128x1xf32>
    %get3A_13 = arith.constant 0 : index
    %get3A_14 = arith.constant 0 : index
    %get3A_15 = arith.constant 0 : index
    %get3A_16 = vector.load %arg1[%get3A_13, %get3A_14, %get3A_15] : memref<2x3128x32xf32, #tpu.memory_space<vmem>>, vector<1x3128x32xf32>
    %get3A_17 = vector.shape_cast %get3A_16 : vector<1x3128x32xf32> to vector<3128x32xf32>
    %get3A_18 = arith.constant 1 : index
    %get3A_19 = arith.constant 0 : index
    %get3A_20 = arith.constant 0 : index
    %get3A_21 = vector.load %arg1[%get3A_18, %get3A_19, %get3A_20] : memref<2x3128x32xf32, #tpu.memory_space<vmem>>, vector<1x3128x32xf32>
    %get3A_22 = vector.shape_cast %get3A_21 : vector<1x3128x32xf32> to vector<3128x32xf32>
    %concatenate3A = tpu.concatenate %get3A_17, %get3A_22 in 1 : vector<3128x32xf32>, vector<3128x32xf32> -> vector<3128x64xf32>
    %mul3A = vector.broadcast %div3A_12 : vector<3128x1xf32> to vector<3128x64xf32>
    %mul3A_23 = arith.mulf %concatenate3A, %mul3A : vector<3128x64xf32>
    %get3A_24 = arith.constant 0 : index
    %get3A_25 = arith.constant 0 : index
    %get3A_26 = vector.load %arg5[%get3A_24, %get3A_25] : memref<1x64xf32, #tpu.memory_space<vmem>>, vector<1x64xf32>
    %add3A_27 = vector.broadcast %get3A_26 : vector<1x64xf32> to vector<3128x64xf32>
    %add3A_28 = arith.addf %mul3A_23, %add3A_27 : vector<3128x64xf32>
    %get3A_29 = arith.constant 0 : index
    %get3A_30 = arith.constant 0 : index
    %get3A_31 = vector.load %arg3[%get3A_29, %get3A_30] : memref<3128x128xf32, #tpu.memory_space<vmem>>, vector<3128x128xf32>
    %get3A_32 = arith.constant 0 : index
    %get3A_33 = arith.constant 0 : index
    %get3A_34 = vector.load %arg4[%get3A_32, %get3A_33] : memref<128x64xf32, #tpu.memory_space<vmem>>, vector<128x64xf32>
    %dot_general3A = arith.constant dense<0.000000e+00> : vector<3128x64xf32>
    %dot_general3A_35 = tpu.matmul %get3A_31, %get3A_34, %dot_general3A {dimension_numbers = #tpu.dot_dimension_numbers<[1], [0], [0], [1], [0, 0, 1, 1], [], []>, transpose_lhs_hint = false} : vector<3128x128xf32>, vector<128x64xf32>, vector<3128x64xf32> -> vector<3128x64xf32>
    %add3A_36 = arith.addf %add3A_28, %dot_general3A_35 : vector<3128x64xf32>
    %swap3A = arith.constant 0 : index
    %swap3A_37 = arith.constant 0 : index
    %swap3A_38 = vector.load %arg6[%swap3A, %swap3A_37] : memref<3128x64xf32, #tpu.memory_space<vmem>>, vector<3128x64xf32>
    tpu.vector_store %arg6[%swap3A, %swap3A_37], %add3A_36 {strides = array<i32>} : memref<3128x64xf32, #tpu.memory_space<vmem>>, vector<3128x64xf32>,
    return
  }
  func.func @transform_0(%arg0: i32) -> (i32, i32, i32) {
    %c0_i32 = arith.constant 0 : i32
    %c0_i32_0 = arith.constant 0 : i32
    %c0_i32_1 = arith.constant 0 : i32
    return %c0_i32, %arg0, %c0_i32_0 : i32, i32, i32
  }
  func.func @transform_1(%arg0: i32) -> (i32, i32, i32) {
    %c0_i32 = arith.constant 0 : i32
    %c0_i32_0 = arith.constant 0 : i32
    %c0_i32_1 = arith.constant 0 : i32
    return %c0_i32, %arg0, %c0_i32_0 : i32, i32, i32
  }
  func.func @transform_2(%arg0: i32) -> (i32, i32) {
    %c0_i32 = arith.constant 0 : i32
    %c0_i32_0 = arith.constant 0 : i32
    return %arg0, %c0_i32 : i32, i32
  }
  func.func @transform_3(%arg0: i32) -> (i32, i32) {
    %c0_i32 = arith.constant 0 : i32
    %c0_i32_0 = arith.constant 0 : i32
    %c0_i32_1 = arith.constant 0 : i32
    return %c0_i32, %c0_i32_0 : i32, i32
  }
  func.func @transform_4(%arg0: i32) -> (i32, i32) {
    %c0_i32 = arith.constant 0 : i32
    %c0_i32_0 = arith.constant 0 : i32
    %c0_i32_1 = arith.constant 0 : i32
    return %c0_i32, %c0_i32_0 : i32, i32
  }
  func.func @transform_5(%arg0: i32) -> (i32, i32) {
    %c0_i32 = arith.constant 0 : i32
    %c0_i32_0 = arith.constant 0 : i32
    return %arg0, %c0_i32 : i32, i32
  }
}

</mosaic_0001>

<sc_bundles>
// kernel: sage_seg_count.3.cloned.1.call-start
scs
__scs_entry_jumppad:
0x0: {  	(pc) =	sbr.rel $0x88, $3  }
0x1: {  	(tag) =	ssettag $0x0;
	lr =	simm.s32 $0x1  }
0x2: {  	[smem:$0x3F98] =	sst lr;
	_ =	strace $0xD0000000  }
0x3: {  	_ = 	snop  }
0x4: {  	_ = 	snop  }
0x5: {  	_ = 	snop  }
0x6: {  	_ = 	snop  }
0x7: {  	_ = 	snop  }
__scs_overlays_trampoline_lowered:
0x8: {  	[smem:$0x3FA7] =	sst s0  }
0x9: {  	[smem:$0x3FA8] =	sst s1  }
0xa: {  	[smem:$0x3FA9] =	sst s2  }
0xb: {  	[smem:$0x3FAA] =	sst s3  }
0xc: {  	[smem:$0x3FAB] =	sst s4  }
0xd: {  	[smem:$0x3FAC] =	sst s5  }
0xe: {  	[smem:$0x3FAD] =	sst s6  }
0xf: {  	[smem:$0x3FAE] =	sst s7  }
0x10: {  	[smem:$0x3FAF] =	sst s8  }
0x11: {  	[smem:$0x3FB0] =	sst s9;
	s0 =	simm.s32 @!p0 $0x0  }
0x12: {  	s1 =	sld [smem:$0x3F96];
	s0 =	simm.s32 @p0 $0x1  }
0x13: {  	[smem:$0x3FB1] =	sst s0;
	s0 =	simm.s32 @!p1 $0x0  }
0x14: {  	s2 =	sld [smem:$0x3F95];
	s0 =	simm.s32 @p1 $0x1  }
0x15: {  	[smem:$0x3FB2] =	sst s0;
	s0 =	simm.s32 @!p2 $0x0  }
0x16: {  	s3 =	sld [smem:$0x3FDB];
	s0 =	simm.s32 @p2 $0x1  }
0x17: {  	s4 =	simm.s32 $0x1BF5;
	[smem:$0x3FB4] =	sst s0  }
0x18: {  	s0 =	sld [smem:$0x3F97];
	_ =	swait.ge [sflag:s4], $0x0  }
0x19: {  	s7 =	sld [smem:$0x3F98]  }
0x1a: {  	s8 =	sadd.s32 $0xFFFFE003, lr  }
0x1b: {  	s9 =	sadd.s32 $0xFFFFFEF7, lr;
	s5 =	simm.s32 $0xFFFFFFFF;
	p2 =	slt.u32 s8, $0xFFFFF086  }
0x1c: {  	p1 =	slt.u32 s9, $0xF7A;
	s5 =	simm.s32 @!p2 $0x0  }
0x1d: {  	s5 =	simm.s32 @p1 $0x1;
	p0 =	seq.s32 s7, s2  }
0x1e: {  	s7 =	smul.u32 @!p0 $0xF7A, s2;
	p2 =	seq.s32 @!p0 s5, $0x0  }
0x1f: {  	s9 =	smul.u32 $0xF7A, s1;
	s8 =	simm.s32 @!p0 $0x1BF5;
	p2 =	por !p2, p0  }
0x20: {  	[sflag:s8] =	ssyncset.s32 @!p0 $0xFFFFF086;
	s6 =	sadd.s32 @!p0 s3, s7;
	s7 =	simm.s32 @!p0 $0x108  }
0x21: {  	s3 =	sadd.s32 s3, s9;
	s6 =	sadd.s32 @!p0 $0x88, s6;
	s7 =	simm.s32 @p2 $0x1082  }
0x22: {  	[simem:s7], [sflag:s8] =	dma.local @!p0 [hbm:s6], $0xF7A  }
0x23: {  	s9 =	sor.u32 $0xD0000000, s2;
	s6 =	simm.s32 $0x108;
	_ =	swait.ge @!p0 [sflag:s8], $0x0  }
0x24: {  	s3 =	sadd.s32 $0x88, s3;
	s6 =	simm.s32 @!p1 $0x1082;
	[sflag:s4] =	ssyncset.s32 $0xFFFFF086  }
0x25: {  	[simem:s6], [sflag:s4] =	dma.local [hbm:s3], $0xF7A  }
0x26: {  	[smem:$0x3F98] =	sst s1;
	(tag) =	ssettag s2;
	_ =	strace s9  }
0x27: {  	s1 =	sld [smem:$0x3FA8]  }
0x28: {  	s2 =	sld [smem:$0x3FA9]  }
0x29: {  	s4 =	sld [smem:$0x3FAB]  }
0x2a: {  	p0 =	seq.s32 s5, $0x0;
	s5 =	sld [smem:$0x3FAC]  }
0x2b: {  	s6 =	sld [smem:$0x3FAD]  }
0x2c: {  	s7 =	sld [smem:$0x3FAE]  }
0x2d: {  	s3 =	simm.s32 $0x108;
	s8 =	sld [smem:$0x3FAF]  }
0x2e: {  	s3 =	simm.s32 @!p0 $0x1082;
	s9 =	sld [smem:$0x3FB0]  }
0x2f: {  	lr =	sadd.s32 s0, s3;
	s0 =	sld [smem:$0x3FA7]  }
0x30: {  	s3 =	sld [smem:$0x3FAA]  }
0x31: {  	[smem:$0x3FB3] =	sst s10  }
0x32: {  	s10 =	sld [smem:$0x3FB1];
	_ =	sdelay $0x3  }
0x33: {  	p0 =	seq.s32 s10, $0x1;
	s10 =	sld [smem:$0x3FB3];
	_ =	sdelay $0x3  }
0x34: {  	[smem:$0x3FB3] =	sst s10  }
0x35: {  	s10 =	sld [smem:$0x3FB2];
	_ =	sdelay $0x3  }
0x36: {  	p1 =	seq.s32 s10, $0x1;
	s10 =	sld [smem:$0x3FB3];
	_ =	sdelay $0x3  }
0x37: {  	[smem:$0x3FB3] =	sst s10  }
0x38: {  	s10 =	sld [smem:$0x3FB4]  }
0x39: {  	_ = 	snop;
	(pc) =	sbr.ind lr, $3  }
0x3a: {  	_ = 	snop  }
0x3b: {  	_ = 	snop  }
0x3c: {  	p2 =	seq.s32 s10, $0x1;
	s10 =	sld [smem:$0x3FB3]  }
0x3d: {  	_ =	shalt  }
0x3e: {  	_ =	shalt  }
0x3f: {  	_ =	shalt  }
0x40: {  	_ =	shalt  }
0x41: {  	_ =	shalt  }
0x42: {  	_ =	shalt  }
0x43: {  	_ =	shalt  }
0x44: {  	_ =	shalt  }
0x45: {  	_ =	shalt  }
0x46: {  	_ =	shalt  }
0x47: {  	_ =	shalt  }
0x48: {  	_ =	shalt  }
0x49: {  	_ =	shalt  }
0x4a: {  	_ =	shalt  }
0x4b: {  	_ =	shalt  }
0x4c: {  	_ =	shalt  }
0x4d: {  	_ =	shalt  }
0x4e: {  	_ =	shalt  }
0x4f: {  	_ =	shalt  }
0x50: {  	_ =	shalt  }
0x51: {  	_ =	shalt  }
0x52: {  	_ =	shalt  }
0x53: {  	_ =	shalt  }
0x54: {  	_ =	shalt  }
0x55: {  	_ =	shalt  }
0x56: {  	_ =	shalt  }
0x57: {  	_ =	shalt  }
0x58: {  	_ =	shalt  }
0x59: {  	_ =	shalt  }
0x5a: {  	_ =	shalt  }
0x5b: {  	_ =	shalt  }
0x5c: {  	_ =	shalt  }
0x5d: {  	_ =	shalt  }
0x5e: {  	_ =	shalt  }
0x5f: {  	_ =	shalt  }
0x60: {  	_ =	shalt  }
0x61: {  	_ =	shalt  }
0x62: {  	_ =	shalt  }
0x63: {  	_ =	shalt  }
0x64: {  	_ =	shalt  }
0x65: {  	_ =	shalt  }
0x66: {  	_ =	shalt  }
0x67: {  	_ =	shalt  }
0x68: {  	_ =	shalt  }
0x69: {  	_ =	shalt  }
0x6a: {  	_ =	shalt  }
0x6b: {  	_ =	shalt  }
0x6c: {  	_ =	shalt  }
0x6d: {  	_ =	shalt  }
0x6e: {  	_ =	shalt  }
0x6f: {  	_ =	shalt  }
0x70: {  	_ =	shalt  }
0x71: {  	_ =	shalt  }
0x72: {  	_ =	shalt  }
0x73: {  	_ =	shalt  }
0x74: {  	_ =	shalt  }
0x75: {  	_ =	shalt  }
0x76: {  	_ =	shalt  }
0x77: {  	_ =	shalt  }
0x78: {  	_ =	shalt  }
0x79: {  	_ =	shalt  }
0x7a: {  	_ =	shalt  }
0x7b: {  	_ =	shalt  }
0x7c: {  	_ =	shalt  }
0x7d: {  	_ =	shalt  }
0x7e: {  	_ =	shalt  }
0x7f: {  	_ =	shalt  }
0x80: {  	_ =	shalt  }
0x81: {  	_ =	shalt  }
0x82: {  	_ =	shalt  }
0x83: {  	_ =	shalt  }
0x84: {  	_ =	shalt  }
0x85: {  	_ =	shalt  }
0x86: {  	_ =	shalt  }
0x87: {  	_ =	shalt  }
.Lfunc_end0:
.L_simem_size_0:
called_computation_lowered:
.L_overlay_start_0:
0x88: {  	s2 =	sld [smem:$0x3FD9]  }
0x89: {  	s3 =	sld [smem:$0x3FFE];
	_ =	sdelay $0x1  }
0x8a: {  	s1 =	srdreg.scid  }
0x8b: {  	s0 =	sand.u32 $0x1, s1  }
0x8c: {  	s15 =	sshll.u32 s0, $0xA;
	s2 =	sadd.s32 s3, s2  }
0x8d: {  	s2 =	sadd.s32 s2, s15  }
0x8e: {  	[smem:$0x3FBF] =	sst s2  }
0x8f: {  	_ = 	snop  }
0x90: {  	s2 =	sld [smem:$0x3FD0];
	_ =	sdelay $0x2  }
0x91: {  	s4 =	simm.s32 $0xB;
	s16 =	simm.s32 $0x10  }
0x92: {  	[smem:s16], [sflag:s4] =	dma.local [hbm:s2], $0x1  }
0x93: {  	_ =	swait.eq [sflag:s4], $0x1  }
0x94: {  	[sflag:s4] =	ssyncset.done $0x0  }
0x95: {  	s17 =	sld [smem:$0x10];
	[sflag:s4] =	ssyncadd.s32 $0xFFFFFFFF  }
0x96: {  	s18 =	sld [smem:$0x11];
	(tm) =	ssettm $0x1  }
0x97: {  	s19 =	sld [smem:$0x3FFB];
	_ =	sdelay $0x3  }
0x98: {  	_ =	strace s19  }
0x99: {  	s2 =	sld [smem:$0x3FFC];
	_ =	sdelay $0x3  }
0x9a: {  	_ =	strace s2  }
0x9b: {  	s2 =	sld [smem:$0x3FFD];
	_ =	sdelay $0x3  }
0x9c: {  	_ =	strace s2  }
0x9d: {  	_ =	strace $0x8FFFFFFF  }
0x9e: {  	s20 =	sld [smem:$0x3FDB];
	_ =	sdelay $0x1  }
0x9f: {  	s5 =	simm.s32 $_scs_section_size  }
0xa0: {  	s6 =	simm.s32 $_size__tile_overlayer_lowered;
	s7 =	simm.s32 $_tile_overlayer_lowered  }
0xa1: {  	s8 =	simm.s32 $0x1BFF;
	s21 =	sshll.u32 s7, $0x1;
	s5 =	sadd.s32 s5, s20  }
0xa2: {  	s22 =	simm.s32 $0x0;
	s6 =	sshll.u32 s6, $0x1;
	s7 =	sadd.s32 s21, s5  }
0xa3: {  	[timem:s22], [sflag:s8] =	dma.local [hbm:s7], s6  }
0xa4: {  	_ =	swait.ge [sflag:s8], s6  }
0xa5: {  	s6 =	ssub.s32 $0x0, s6;
	[sflag:s8] =	ssyncset.done $0x0  }
0xa6: {  	[sflag:s8] =	ssyncadd.s32 s6;
	_ =	sdelay $0x1  }
0xa7: {  	s23 =	simm.s32 $0x1B8B  }
0xa8: {  	_ =	swait.ge [sflag:s23], $0x1  }
0xa9: {  	[sflag:s23] =	ssyncset.done $0x0  }
0xaa: {  	[sflag:s23] =	ssyncadd.s32 $0xFFFFFFFF  }
0xab: {  	s6 =	sld [smem:$0x0]  }
0xac: {  	s7 =	sand.u32 $0xFFFFFFFE, s1  }
0xad: {  	p0 =	sne.s32 s1, s7  }
0xae: {  	s7 =	sshll.u32 @p0 s7, $0xE  }
0xaf: {  	s7 =	sadd.s32 @p0 $0x11B8D, s7;
	s8 =	sshll.u32 @p0 s6, $0x11  }
0xb0: {  	s7 =	sor.u32 @p0 s8, s7  }
0xb1: {  	[sflag:s7] =	ssyncadd.remote.s32 @p0 $0x1;
	_ =	sdelay $0x1  }
0xb2: {  	s7 =	simm.s32 @p0 $0x1B8D  }
0xb3: {  	_ =	swait.eq @p0 [sflag:s7], $0x1  }
0xb4: {  	[sflag:s7] =	ssyncadd.s32 @p0 $0xFFFFFFFF  }
0xb5: {  	s8 =	sshll.u32 @!p0 s1, $0xE  }
0xb6: {  	s8 =	sor.u32 @!p0 $0x4000, s8;
	s7 =	simm.s32 @!p0 $0x1B8D  }
0xb7: {  	s6 =	sshll.u32 @!p0 s6, $0x11;
	s8 =	sadd.s32 @!p0 $0x11B8D, s8;
	_ =	swait.eq @!p0 [sflag:s7], $0x1  }
0xb8: {  	s6 =	sor.u32 @!p0 s6, s8;
	[sflag:s7] =	ssyncadd.s32 @!p0 $0xFFFFFFFF  }
0xb9: {  	s25 =	simm.s32 $0x1B8E;
	s24 =	sld [smem:$0x3FFE];
	[sflag:s6] =	ssyncadd.remote.s32 @!p0 $0x1  }
0xba: {  	s26 =	simm.s32 $execute0_lowered;
	[smem:$0x3FD2] =	sst s25  }
0xbb: {  	s7 =	sshll.u32 s26, $0x1;
	_ =	strace $0x80000049;
	[dreg:$0x1] =	wrdreg $0xFFFFFFFF  }
0xbc: {  	s28 =	simm.s32 $_size_execute0_lowered;
	s5 =	sadd.s32 s5, s7;
	[dreg:$0x0] =	wrdreg $0x0  }
0xbd: {  	s7 =	sshll.u32 s28, $0x1;
	[dreg:$0x2] =	wrdreg s5  }
0xbe: {  	[dreg:$0x3] =	wrdreg s7  }
0xbf: {  	[dreg:$0x4] =	wrdreg $0xC0  }
0xc0: {  	_ =	task [dreg:s22], $0x5FFFF  }
0xc1: {  	[dreg:$0x1] =	wrdreg $0xFFFFFFFF  }
0xc2: {  	[dreg:$0x0] =	wrdreg $0x60  }
0xc3: {  	[dreg:$0x2] =	wrdreg s17  }
0xc4: {  	[dreg:$0x3] =	wrdreg s24  }
0xc5: {  	[dreg:$0x4] =	wrdreg s18  }
0xc6: {  	[dreg:$0x5] =	wrdreg $0x0  }
0xc7: {  	[dreg:$0x6] =	wrdreg $0x9  }
0xc8: {  	_ =	task.clear_ibuf [dreg:s22], $0x7FFFF;
	_ =	strace $0x90000049  }
0xc9: {  	s29 =	simm.s32 $0x9;
	_ =	strace $0x8000004B  }
0xca: {  	_ =	swait.ge [sflag:s29], $0x1  }
0xcb: {  	[sflag:s29] =	ssyncadd.s32 $0xFFFFFFFF  }
0xcc: {  	_ =	strace $0x9000004B  }
0xcd: {  	_ =	sfence  }
0xce: {  	s30 =	sld [smem:$0x0];
	_ =	sdelay $0x2  }
0xcf: {  	s31 =	sshll.u32 s1, $0xD;
	s1 =	sshrl.u32 s1, $0x2  }
0xd0: {  	s4 =	sand.u32 $0x4000, s31;
	s1 =	sadd.s32 s1, s30  }
0xd1: {  	s0 =	sor.u32 s4, s0;
	s1 =	sshll.u32 s1, $0x11  }
0xd2: {  	s0 =	sor.u32 s1, s0  }
0xd3: {  	s0 =	sadd.s32 $0x8F2B, s0  }
0xd4: {  	[sflag:s0] =	ssyncadd.remote.s32 $0x1  }
0xd5: {  	_ =	sfence.sel $0xFFFF  }
0xd6: {  	[dreg:$0x0] =	wrdreg $0xFFFFFFFF;
	(pc) =	sbr.abs _section_cstart, $3  }
0xd7: {  	[dreg:$0x1] =	wrdreg $0xFFFFFFFF  }
0xd8: {  	_ =	task.clear_ibuf [dreg:s22], $0x2FFFF;
	_ =	strace $0x9FFFFFFF  }
0xd9: {  	(tm) =	ssettm $0x7FFFFFFF  }
tec
execute0_lowered:
.L_overlay_start_1:
0x0: {  	(tag) =	ssettag $0x1  }
0x1: {  	s13 =	rddreg [dreg:$0x0]  }
0x2: {  	s5 =	rddreg [dreg:$0x1]  }
0x3: {  	s8 =	rddreg [dreg:$0x2]  }
0x4: {  	s1 =	rddreg [dreg:$0x3]  }
0x5: {  	s2 =	srdreg.scid;
	s0 =	rddreg [dreg:$0x4]  }
0x6: {  	s3 =	simm.s32 $0x0;
	s18 =	simm.s32 $0x1;
	s19 =	simm.s32 $0xC500  }
0x7: {  	s20 =	simm.s32 $0x180;
	s9 =	sand.u32 $0x1, s2;
	s2 =	stileid.u32  }
0x8: {  	s21 =	simm.s32 $0x2;
	[smem:$0x7FF] =	sst s3;
	s10 =	smul.u32 $0xC380, s2  }
0x9: {  	s4 =	sshll.u32 s9, $0x4;
	_ =	strace $0x8000004A;
	s15 =	smul.u32 $0xC3800, s9  }
0xa: {  	s6 =	ssub.s32 $0x2, s9;
	s22 =	sshll.u32 s2, $0x6;
	s23 =	smul.u32 $0x63000, s9  }
0xb: {  	s25 =	smul.u32 $0x6300, s2;
	s7 =	sor.u32 s2, s4;
	s4 =	sadd.s32 $0x1BE400, s5  }
0xc: {  	s5 =	sadd.s32 $0x1BFE00, s5;
	s12 =	sshrl.u32 s6, $0x1;
	s11 =	smul.u32 $0x42, s7  }
0xd: {  	s14 =	smul.u32 $0xC60, s7;
	s12 =	ssub.s32 s6, s12;
	s16 =	sadd.s32 s10, s1  }
0xe: {  	s6 =	sor.u32 $0x1C05, s22;
	s17 =	smul.u32 $0x6300, s7;
	s10 =	sadd.s32 s10, s15  }
0xf: {  	s15 =	simm.s32 $0x5;
	s22 =	simm.s32 $0x3;
	s10 =	sshrl.u32 s10, $0x3  }
0x10: {  	s9 =	smax.u32 s12, $0x1;
	s7 =	sadd.s32 s13, s14;
	s24 =	sor.u32 $0x1, s11  }
0x11: {  	s8 =	sadd.s32 s8, s10;
	s26 =	sshrl.u32 s17, $0x3;
	s11 =	sadd.s32 s25, s23  }
0x12: {  	s17 =	simm.s32 $0xC380;
	s23 =	simm.s32 $0x4;
	s28 =	smul.u32 $0x180, s24  }
.Ltmp0:
0x13: {  	s10 =	sadd.s32 s13, s26;
	s14 =	sadd.s32 $0x600, s11;
	(pc) =	sbr.rel .LBB2_1-.Ltmp0, $4  }
0x14: {  	s30 =	sadd.s32 $0x480, s11;
	s24 =	simm.s32 $0x0;
	s29 =	sshrl.u32 s28, $0x3  }
0x15: {  	s10 =	sadd.s32 $0x30, s10;
	s14 =	sshrl.u32 s14, $0x3;
	s12 =	sadd.s32 s13, s29  }
0x16: {  	s31 =	sshrl.u32 s30, $0x3;
	s11 =	sadd.s32 $0x30, s12;
	s12 =	sadd.s32 s14, s13  }
0x17: {  	s13 =	sadd.s32 s31, s13;
	s14 =	sshrl.u32 s16, $0x3;
	s16 =	simm.s32 $0xC680  }
.LBB2_4:
0x18: {  	[spmem:s1] =	stream.indirect.scatter.add.f32 [tilespmem:s16], [sflag:$0x4], $0x10, s19, s20, $0xb8;
	[tilespmem:$0xDE80] =	vst v63  }
0x19: {  	_ =	swait.ge [sflag:s23], $0x1800  }
0x1a: {  	s24 =	sadd.s32 $0x1, s24;
	[sflag:s23] =	ssyncset.done $0x0  }
0x1b: {  	p0 =	sne.s32 s24, s9;
	[sflag:s23] =	ssyncadd.s32 $0xFFFFE800  }
.Ltmp1:
0x1c: {  	[bflag:$0x0] =	sbarrier.arrive $0xFFFF;
	(pc) =	sbr.rel @!p0 .LBB2_5-.Ltmp1, $4  }
0x1d: {  	[hbm:s8], [sflag:s6] =	dma.local [spmem:s14], $0x1870  }
0x1e: {  	_ =	swait.ge [sflag:s15], $0x1870  }
0x1f: {  	[sflag:s15] =	ssyncset.done $0x0  }
0x20: {  	[sflag:s15] =	ssyncadd.s32 $0xFFFFE790  }
.LBB2_1:
0x21: {  	[spmem:s14], [sflag:s6] =	dma.local [hbm:s4], $0x1870  }
0x22: {  	_ =	swait.ge [sflag:s15], $0x1870  }
0x23: {  	[sflag:s15] =	ssyncset.done $0x0  }
0x24: {  	[sflag:s15] =	ssyncadd.s32 $0xFFFFE790  }
0x25: {  	[tilespmem:s16], [sflag:$0x5] =	stream.linear.gather [hbm4b:s5+s3], $0x1800, $0x38;
	[tilespmem:$0xDE80] =	vst v63  }
0x26: {  	_ =	swait.ge [sflag:s15], $0x1800  }
0x27: {  	[sflag:s15] =	ssyncset.done $0x0  }
0x28: {  	[sflag:s15] =	ssyncadd.s32 $0xFFFFE800  }
0x29: {  	[bflag:$0x0] =	sbarrier.arrive $0xFFFF  }
0x2a: {  	[tilespmem:s17], [sflag:$0x1] =	stream.linear.gather [hbm4b:s7+s3], $0x180, $0x38;
	[tilespmem:$0xDE80] =	vst v63  }
0x2b: {  	_ =	swait.ge [sflag:s18], $0x180  }
0x2c: {  	[sflag:s18] =	ssyncset.done $0x0  }
0x2d: {  	[sflag:s18] =	ssyncadd.s32 $0xFFFFFE80  }
0x2e: {  	[tilespmem:s19], [sflag:$0x2] =	stream.linear.gather [hbm4b:s10+s3], $0x180, $0x38;
	[tilespmem:$0xDE80] =	vst v63  }
0x2f: {  	_ = 	snop  }
0x30: {  	[spmem:s1] =	stream.indirect.scatter.add.f32 [tilespmem:s16], [sflag:$0x3], $0x10, s17, s20, $0xb8;
	[tilespmem:$0xDE80] =	vst v63  }
0x31: {  	_ =	swait.ge [sflag:s21], $0x180  }
0x32: {  	[sflag:s21] =	ssyncset.done $0x0  }
0x33: {  	[sflag:s21] =	ssyncadd.s32 $0xFFFFFE80  }
0x34: {  	_ =	swait.ge [sflag:s22], $0x1800  }
0x35: {  	[sflag:s22] =	ssyncset.done $0x0  }
0x36: {  	[sflag:s22] =	ssyncadd.s32 $0xFFFFE800  }
0x37: {  	[tilespmem:s17], [sflag:$0x1] =	stream.linear.gather [hbm4b:s11+s3], $0x180, $0x38;
	[tilespmem:$0xDE80] =	vst v63  }
0x38: {  	s25 =	simm.s32 $0x0  }
0x39: {  	[spmem:s1] =	stream.indirect.scatter.add.f32 [tilespmem:s16], [sflag:$0x4], $0x10, s19, s20, $0xb8;
	[tilespmem:$0xDE80] =	vst v63  }
.LBB2_2:
0x3a: {  	_ =	swait.ge [sflag:s18], $0x180  }
0x3b: {  	[sflag:s18] =	ssyncset.done $0x0  }
0x3c: {  	[sflag:s18] =	ssyncadd.s32 $0xFFFFFE80  }
0x3d: {  	_ =	swait.ge [sflag:s23], $0x1800  }
0x3e: {  	[sflag:s23] =	ssyncset.done $0x0  }
0x3f: {  	s26 =	sadd.s32 s25, s13;
	[sflag:s23] =	ssyncadd.s32 $0xFFFFE800  }
0x40: {  	[tilespmem:s19], [sflag:$0x2] =	stream.linear.gather [hbm4b:s26+s3], $0x180, $0x38;
	[tilespmem:$0xDE80] =	vst v63  }
0x41: {  	_ = 	snop  }
0x42: {  	[spmem:s1] =	stream.indirect.scatter.add.f32 [tilespmem:s16], [sflag:$0x3], $0x10, s17, s20, $0xb8;
	[tilespmem:$0xDE80] =	vst v63  }
0x43: {  	p0 =	seq.s32 s25, $0xBA0;
	_ =	swait.ge [sflag:s21], $0x180  }
.Ltmp2:
0x44: {  	[sflag:s21] =	ssyncset.done $0x0;
	(pc) =	sbr.rel @p0 .LBB2_4-.Ltmp2, $4  }
0x45: {  	[sflag:s21] =	ssyncadd.s32 $0xFFFFFE80  }
0x46: {  	_ =	swait.ge [sflag:s22], $0x1800  }
0x47: {  	[sflag:s22] =	ssyncset.done $0x0  }
0x48: {  	[sflag:s22] =	ssyncadd.s32 $0xFFFFE800  }
.Ltmp3:
0x49: {  	(pc) =	sbr.rel .LBB2_2-.Ltmp3, $4  }
0x4a: {  	s26 =	sadd.s32 s25, s12  }
0x4b: {  	[tilespmem:s17], [sflag:$0x1] =	stream.linear.gather [hbm4b:s26+s3], $0x180, $0x38;
	[tilespmem:$0xDE80] =	vst v63  }
0x4c: {  	s25 =	sadd.s32 $0x60, s25  }
0x4d: {  	[spmem:s1] =	stream.indirect.scatter.add.f32 [tilespmem:s16], [sflag:$0x4], $0x10, s19, s20, $0xb8;
	[tilespmem:$0xDE80] =	vst v63  }
.LBB2_5:
0x4e: {  	_ =	sfence.sel $0x180000  }
0x4f: {  	[bflag:$0x0] =	sbarrier.arrive $0xFFFF  }
0x50: {  	p0 =	sne.s32 s2, $0x0;
	_ =	strace $0x9000004A  }
0x51: {  	s0 =	sadd.s32 @!p0 $0x100000, s0;
	[bflag:$0x2] =	sbarrier.arrive $0xFFFF  }
0x52: {  	[sflag:s0] =	ssyncadd.tile.s32 @!p0 $0x1;
	_ =	shalt  }
.Lfunc_end2:
_tile_overlayer_lowered:
.L_overlay_start_2:
0x53: {  	(tag) =	ssettag $0x2  }
0x54: {  	s0 =	rddreg [dreg:$0x0];
	s2 =	stileid.u32  }
0x55: {  	s1 =	rddreg [dreg:$0x1];
	p0 =	sne.s32 s2, $0x0  }
0x56: {  	s3 =	rddreg [dreg:$0x2];
	[bflag:$0x3] =	sbarrier.arrive $0xFFFF;
	s2 =	simm.s32 @!p0 $0x1C05  }
0x57: {  	[timem:s3], [sflag:s2] =	dma.local @!p0 [hbm:s0], s1  }
0x58: {  	s0 =	simm.s32 @!p0 $0x5  }
0x59: {  	_ =	swait.ge @!p0 [sflag:s0], s1  }
0x5a: {  	s1 =	ssub.s32 @!p0 $0x0, s1;
	[sflag:s0] =	ssyncset.done @!p0 $0x0  }
0x5b: {  	[sflag:s0] =	ssyncadd.s32 @!p0 s1  }
0x5c: {  	[bflag:$0x3] =	sbarrier.arrive $0xFFFF  }
0x5d: {  	_ =	shalt  }

// kernel: sage_seg_sum.4.cloned.1.call-start
scs
__scs_entry_jumppad:
0x0: {  	(pc) =	sbr.rel $0x88, $3  }
0x1: {  	(tag) =	ssettag $0x0;
	lr =	simm.s32 $0x1  }
0x2: {  	[smem:$0x3F98] =	sst lr;
	_ =	strace $0xD0000000  }
0x3: {  	_ = 	snop  }
0x4: {  	_ = 	snop  }
0x5: {  	_ = 	snop  }
0x6: {  	_ = 	snop  }
0x7: {  	_ = 	snop  }
__scs_overlays_trampoline_lowered:
0x8: {  	[smem:$0x3FA7] =	sst s0  }
0x9: {  	[smem:$0x3FA8] =	sst s1  }
0xa: {  	[smem:$0x3FA9] =	sst s2  }
0xb: {  	[smem:$0x3FAA] =	sst s3  }
0xc: {  	[smem:$0x3FAB] =	sst s4  }
0xd: {  	[smem:$0x3FAC] =	sst s5  }
0xe: {  	[smem:$0x3FAD] =	sst s6  }
0xf: {  	[smem:$0x3FAE] =	sst s7  }
0x10: {  	[smem:$0x3FAF] =	sst s8  }
0x11: {  	[smem:$0x3FB0] =	sst s9;
	s0 =	simm.s32 @!p0 $0x0  }
0x12: {  	s1 =	sld [smem:$0x3F96];
	s0 =	simm.s32 @p0 $0x1  }
0x13: {  	[smem:$0x3FB1] =	sst s0;
	s0 =	simm.s32 @!p1 $0x0  }
0x14: {  	s2 =	sld [smem:$0x3F95];
	s0 =	simm.s32 @p1 $0x1  }
0x15: {  	[smem:$0x3FB2] =	sst s0;
	s0 =	simm.s32 @!p2 $0x0  }
0x16: {  	s3 =	sld [smem:$0x3FDB];
	s0 =	simm.s32 @p2 $0x1  }
0x17: {  	s4 =	simm.s32 $0x1BF5;
	[smem:$0x3FB4] =	sst s0  }
0x18: {  	s0 =	sld [smem:$0x3F97];
	_ =	swait.ge [sflag:s4], $0x0  }
0x19: {  	s7 =	sld [smem:$0x3F98]  }
0x1a: {  	s8 =	sadd.s32 $0xFFFFE003, lr  }
0x1b: {  	s9 =	sadd.s32 $0xFFFFFEF7, lr;
	s5 =	simm.s32 $0xFFFFFFFF;
	p2 =	slt.u32 s8, $0xFFFFF086  }
0x1c: {  	p1 =	slt.u32 s9, $0xF7A;
	s5 =	simm.s32 @!p2 $0x0  }
0x1d: {  	s5 =	simm.s32 @p1 $0x1;
	p0 =	seq.s32 s7, s2  }
0x1e: {  	s7 =	smul.u32 @!p0 $0xF7A, s2;
	p2 =	seq.s32 @!p0 s5, $0x0  }
0x1f: {  	s9 =	smul.u32 $0xF7A, s1;
	s8 =	simm.s32 @!p0 $0x1BF5;
	p2 =	por !p2, p0  }
0x20: {  	[sflag:s8] =	ssyncset.s32 @!p0 $0xFFFFF086;
	s6 =	sadd.s32 @!p0 s3, s7;
	s7 =	simm.s32 @!p0 $0x108  }
0x21: {  	s3 =	sadd.s32 s3, s9;
	s6 =	sadd.s32 @!p0 $0x88, s6;
	s7 =	simm.s32 @p2 $0x1082  }
0x22: {  	[simem:s7], [sflag:s8] =	dma.local @!p0 [hbm:s6], $0xF7A  }
0x23: {  	s9 =	sor.u32 $0xD0000000, s2;
	s6 =	simm.s32 $0x108;
	_ =	swait.ge @!p0 [sflag:s8], $0x0  }
0x24: {  	s3 =	sadd.s32 $0x88, s3;
	s6 =	simm.s32 @!p1 $0x1082;
	[sflag:s4] =	ssyncset.s32 $0xFFFFF086  }
0x25: {  	[simem:s6], [sflag:s4] =	dma.local [hbm:s3], $0xF7A  }
0x26: {  	[smem:$0x3F98] =	sst s1;
	(tag) =	ssettag s2;
	_ =	strace s9  }
0x27: {  	s1 =	sld [smem:$0x3FA8]  }
0x28: {  	s2 =	sld [smem:$0x3FA9]  }
0x29: {  	s4 =	sld [smem:$0x3FAB]  }
0x2a: {  	p0 =	seq.s32 s5, $0x0;
	s5 =	sld [smem:$0x3FAC]  }
0x2b: {  	s6 =	sld [smem:$0x3FAD]  }
0x2c: {  	s7 =	sld [smem:$0x3FAE]  }
0x2d: {  	s3 =	simm.s32 $0x108;
	s8 =	sld [smem:$0x3FAF]  }
0x2e: {  	s3 =	simm.s32 @!p0 $0x1082;
	s9 =	sld [smem:$0x3FB0]  }
0x2f: {  	lr =	sadd.s32 s0, s3;
	s0 =	sld [smem:$0x3FA7]  }
0x30: {  	s3 =	sld [smem:$0x3FAA]  }
0x31: {  	[smem:$0x3FB3] =	sst s10  }
0x32: {  	s10 =	sld [smem:$0x3FB1];
	_ =	sdelay $0x3  }
0x33: {  	p0 =	seq.s32 s10, $0x1;
	s10 =	sld [smem:$0x3FB3];
	_ =	sdelay $0x3  }
0x34: {  	[smem:$0x3FB3] =	sst s10  }
0x35: {  	s10 =	sld [smem:$0x3FB2];
	_ =	sdelay $0x3  }
0x36: {  	p1 =	seq.s32 s10, $0x1;
	s10 =	sld [smem:$0x3FB3];
	_ =	sdelay $0x3  }
0x37: {  	[smem:$0x3FB3] =	sst s10  }
0x38: {  	s10 =	sld [smem:$0x3FB4]  }
0x39: {  	_ = 	snop;
	(pc) =	sbr.ind lr, $3  }
0x3a: {  	_ = 	snop  }
0x3b: {  	_ = 	snop  }
0x3c: {  	p2 =	seq.s32 s10, $0x1;
	s10 =	sld [smem:$0x3FB3]  }
0x3d: {  	_ =	shalt  }
0x3e: {  	_ =	shalt  }
0x3f: {  	_ =	shalt  }
0x40: {  	_ =	shalt  }
0x41: {  	_ =	shalt  }
0x42: {  	_ =	shalt  }
0x43: {  	_ =	shalt  }
0x44: {  	_ =	shalt  }
0x45: {  	_ =	shalt  }
0x46: {  	_ =	shalt  }
0x47: {  	_ =	shalt  }
0x48: {  	_ =	shalt  }
0x49: {  	_ =	shalt  }
0x4a: {  	_ =	shalt  }
0x4b: {  	_ =	shalt  }
0x4c: {  	_ =	shalt  }
0x4d: {  	_ =	shalt  }
0x4e: {  	_ =	shalt  }
0x4f: {  	_ =	shalt  }
0x50: {  	_ =	shalt  }
0x51: {  	_ =	shalt  }
0x52: {  	_ =	shalt  }
0x53: {  	_ =	shalt  }
0x54: {  	_ =	shalt  }
0x55: {  	_ =	shalt  }
0x56: {  	_ =	shalt  }
0x57: {  	_ =	shalt  }
0x58: {  	_ =	shalt  }
0x59: {  	_ =	shalt  }
0x5a: {  	_ =	shalt  }
0x5b: {  	_ =	shalt  }
0x5c: {  	_ =	shalt  }
0x5d: {  	_ =	shalt  }
0x5e: {  	_ =	shalt  }
0x5f: {  	_ =	shalt  }
0x60: {  	_ =	shalt  }
0x61: {  	_ =	shalt  }
0x62: {  	_ =	shalt  }
0x63: {  	_ =	shalt  }
0x64: {  	_ =	shalt  }
0x65: {  	_ =	shalt  }
0x66: {  	_ =	shalt  }
0x67: {  	_ =	shalt  }
0x68: {  	_ =	shalt  }
0x69: {  	_ =	shalt  }
0x6a: {  	_ =	shalt  }
0x6b: {  	_ =	shalt  }
0x6c: {  	_ =	shalt  }
0x6d: {  	_ =	shalt  }
0x6e: {  	_ =	shalt  }
0x6f: {  	_ =	shalt  }
0x70: {  	_ =	shalt  }
0x71: {  	_ =	shalt  }
0x72: {  	_ =	shalt  }
0x73: {  	_ =	shalt  }
0x74: {  	_ =	shalt  }
0x75: {  	_ =	shalt  }
0x76: {  	_ =	shalt  }
0x77: {  	_ =	shalt  }
0x78: {  	_ =	shalt  }
0x79: {  	_ =	shalt  }
0x7a: {  	_ =	shalt  }
0x7b: {  	_ =	shalt  }
0x7c: {  	_ =	shalt  }
0x7d: {  	_ =	shalt  }
0x7e: {  	_ =	shalt  }
0x7f: {  	_ =	shalt  }
0x80: {  	_ =	shalt  }
0x81: {  	_ =	shalt  }
0x82: {  	_ =	shalt  }
0x83: {  	_ =	shalt  }
0x84: {  	_ =	shalt  }
0x85: {  	_ =	shalt  }
0x86: {  	_ =	shalt  }
0x87: {  	_ =	shalt  }
.Lfunc_end0:
.L_simem_size_0:
called_computation.1_lowered:
.L_overlay_start_0:
0x88: {  	s2 =	sld [smem:$0x3FD9]  }
0x89: {  	s3 =	sld [smem:$0x3FFE];
	_ =	sdelay $0x1  }
0x8a: {  	s1 =	srdreg.scid  }
0x8b: {  	s0 =	sand.u32 $0x1, s1  }
0x8c: {  	s14 =	sshll.u32 s0, $0xA;
	s2 =	sadd.s32 s3, s2  }
0x8d: {  	s2 =	sadd.s32 s2, s14  }
0x8e: {  	[smem:$0x3FBF] =	sst s2  }
0x8f: {  	_ = 	snop  }
0x90: {  	s2 =	sld [smem:$0x3FD0];
	_ =	sdelay $0x2  }
0x91: {  	s15 =	simm.s32 $0xB;
	s4 =	simm.s32 $0x10  }
0x92: {  	[smem:s4], [sflag:s15] =	dma.local [hbm:s2], $0x1  }
0x93: {  	_ =	swait.eq [sflag:s15], $0x1  }
0x94: {  	[sflag:s15] =	ssyncset.done $0x0  }
0x95: {  	[sflag:s15] =	ssyncadd.s32 $0xFFFFFFFF  }
0x96: {  	s16 =	sld [smem:$0x10];
	(tm) =	ssettm $0x1  }
0x97: {  	s17 =	sld [smem:$0x3FFB];
	_ =	sdelay $0x3  }
0x98: {  	_ =	strace s17  }
0x99: {  	s3 =	sld [smem:$0x3FFC];
	_ =	sdelay $0x3  }
0x9a: {  	_ =	strace s3  }
0x9b: {  	s3 =	sld [smem:$0x3FFD];
	_ =	sdelay $0x3  }
0x9c: {  	_ =	strace s3  }
0x9d: {  	_ =	strace $0x8FFFFFFF  }
0x9e: {  	s18 =	sld [smem:$0x3FDB];
	_ =	sdelay $0x1  }
0x9f: {  	s19 =	simm.s32 $_scs_section_size  }
0xa0: {  	s5 =	simm.s32 $_size__tile_overlayer_lowered;
	s6 =	simm.s32 $_tile_overlayer_lowered  }
0xa1: {  	s22 =	simm.s32 $0x1BFF;
	s21 =	sshll.u32 s6, $0x1;
	s3 =	sadd.s32 s19, s18  }
0xa2: {  	s7 =	simm.s32 $0x0;
	s20 =	sshll.u32 s5, $0x1;
	s5 =	sadd.s32 s21, s3  }
0xa3: {  	[timem:s7], [sflag:s22] =	dma.local [hbm:s5], s20  }
0xa4: {  	_ =	swait.ge [sflag:s22], s20  }
0xa5: {  	s4 =	ssub.s32 $0x0, s20;
	[sflag:s22] =	ssyncset.done $0x0  }
0xa6: {  	[sflag:s22] =	ssyncadd.s32 s4;
	_ =	sdelay $0x1  }
0xa7: {  	s23 =	simm.s32 $0x1B8B  }
0xa8: {  	_ =	swait.ge [sflag:s23], $0x1  }
0xa9: {  	[sflag:s23] =	ssyncset.done $0x0  }
0xaa: {  	s25 =	simm.s32 $0x1B8E;
	s24 =	sld [smem:$0x3FFE];
	[sflag:s23] =	ssyncadd.s32 $0xFFFFFFFF  }
0xab: {  	s26 =	simm.s32 $execute0_lowered;
	[smem:$0x3FD2] =	sst s25  }
0xac: {  	s5 =	sshll.u32 s26, $0x1;
	_ =	strace $0x80000046;
	[dreg:$0x1] =	wrdreg $0xFFFFFFFF  }
0xad: {  	s28 =	simm.s32 $_size_execute0_lowered;
	s3 =	sadd.s32 s3, s5;
	[dreg:$0x0] =	wrdreg $0x0  }
0xae: {  	s5 =	sshll.u32 s28, $0x1;
	[dreg:$0x2] =	wrdreg s3  }
0xaf: {  	[dreg:$0x3] =	wrdreg s5  }
0xb0: {  	[dreg:$0x4] =	wrdreg $0xC0  }
0xb1: {  	_ =	task [dreg:s7], $0x5FFFF  }
0xb2: {  	[dreg:$0x1] =	wrdreg $0xFFFFFFFF  }
0xb3: {  	[dreg:$0x0] =	wrdreg $0x60  }
0xb4: {  	[dreg:$0x2] =	wrdreg s24  }
0xb5: {  	[dreg:$0x3] =	wrdreg s16  }
0xb6: {  	[dreg:$0x4] =	wrdreg $0x0  }
0xb7: {  	[dreg:$0x5] =	wrdreg $0xA  }
0xb8: {  	_ =	task.clear_ibuf [dreg:s7], $0x6FFFF;
	_ =	strace $0x90000046  }
0xb9: {  	s29 =	simm.s32 $0xA;
	_ =	strace $0x80000048  }
0xba: {  	_ =	swait.ge [sflag:s29], $0x1  }
0xbb: {  	[sflag:s29] =	ssyncadd.s32 $0xFFFFFFFF  }
0xbc: {  	_ =	strace $0x90000048  }
0xbd: {  	_ =	sfence  }
0xbe: {  	s30 =	sld [smem:$0x0];
	_ =	sdelay $0x2  }
0xbf: {  	s31 =	sshll.u32 s1, $0xD;
	s1 =	sshrl.u32 s1, $0x2  }
0xc0: {  	s3 =	sand.u32 $0x4000, s31;
	s1 =	sadd.s32 s1, s30  }
0xc1: {  	s0 =	sor.u32 s3, s0;
	s1 =	sshll.u32 s1, $0x11  }
0xc2: {  	s0 =	sor.u32 s1, s0  }
0xc3: {  	s0 =	sadd.s32 $0x8F2B, s0  }
0xc4: {  	[sflag:s0] =	ssyncadd.remote.s32 $0x1  }
0xc5: {  	_ =	sfence.sel $0xFFFF  }
0xc6: {  	[dreg:$0x0] =	wrdreg $0xFFFFFFFF;
	(pc) =	sbr.abs _section_cstart, $3  }
0xc7: {  	[dreg:$0x1] =	wrdreg $0xFFFFFFFF  }
0xc8: {  	_ =	task.clear_ibuf [dreg:s7], $0x2FFFF;
	_ =	strace $0x9FFFFFFF  }
0xc9: {  	(tm) =	ssettm $0x7FFFFFFF  }
tec
execute0_lowered:
.L_overlay_start_1:
0x0: {  	(tag) =	ssettag $0x1  }
0x1: {  	s0 =	rddreg [dreg:$0x0]  }
0x2: {  	s1 =	rddreg [dreg:$0x1]  }
0x3: {  	s2 =	rddreg [dreg:$0x2];
	s4 =	srdreg.scid  }
0x4: {  	s14 =	stileid.u32;
	s3 =	simm.s32 $0x0;
	s28 =	simm.s32 $0x18B80  }
0x5: {  	s29 =	simm.s32 $0x19180;
	s30 =	simm.s32 $0x1C300;
	s31 =	simm.s32 $0x5  }
0x6: {  	s6 =	sand.u32 $0x1, s4;
	s7 =	smul.u32 $0x18700, s14;
	[smem:$0x7FF] =	sst s3  }
0x7: {  	s4 =	sadd.s32 $0xF7A00, s0;
	s5 =	sadd.s32 $0x2A00, s0;
	s11 =	smul.u32 $0xC600, s14  }
0x8: {  	s12 =	sadd.s32 $0x159600, s0;
	s24 =	sshll.u32 s14, $0x6;
	s19 =	smul.u32 $0x18C0, s14  }
0x9: {  	s8 =	smul.u32 $0x187000, s6;
	_ =	strace $0x80000047;
	s9 =	ssub.s32 $0x2, s6  }
0xa: {  	s6 =	smul.u32 $0xC6000, s6;
	[dreg:$0x8] =	wrdreg s12;
	s10 =	sshrl.u32 s9, $0x1  }
0xb: {  	s13 =	sor.u32 $0x180, s11;
	s14 =	sadd.s32 s19, s1;
	s19 =	simm.s32 $0x18D00  }
0xc: {  	s8 =	sadd.s32 s7, s8;
	s23 =	ssub.s32 s9, s10;
	s10 =	sadd.s32 s7, s2  }
0xd: {  	s25 =	sadd.s32 s11, s6;
	s7 =	sor.u32 $0x1C06, s24;
	s11 =	sshrl.u32 s11, $0x3  }
0xe: {  	s6 =	sadd.s32 s6, s13;
	s13 =	sshrl.u32 s13, $0x3;
	s8 =	sshrl.u32 s8, $0x3  }
0xf: {  	s26 =	sshrl.u32 s25, $0x3;
	s11 =	sadd.s32 s1, s11;
	s6 =	sshrl.u32 s6, $0x3  }
0x10: {  	s15 =	sadd.s32 s1, s13;
	s16 =	sadd.s32 $0x780, s25;
	s17 =	smax.u32 s23, $0x1  }
0x11: {  	s20 =	sadd.s32 $0x480, s25;
	s22 =	sadd.s32 $0x300, s25;
	[dreg:$0x9] =	wrdreg s7  }
0x12: {  	s24 =	sadd.s32 $0x600, s25;
	s0 =	sadd.s32 s8, s0;
	[dreg:$0xb] =	wrdreg s11  }
0x13: {  	s12 =	sadd.s32 s5, s26;
	s6 =	sadd.s32 s5, s6;
	[dreg:$0xd] =	wrdreg s15  }
0x14: {  	[dreg:$0xf] =	wrdreg s17;
	s18 =	sshrl.u32 s16, $0x3;
	s21 =	sshrl.u32 s20, $0x3  }
0x15: {  	s23 =	sshrl.u32 s22, $0x3;
	[dreg:$0x10] =	wrdreg s24;
	s8 =	sshrl.u32 s10, $0x3  }
0x16: {  	s17 =	simm.s32 $0x6;
	s20 =	simm.s32 $0x18880;
	[dreg:$0xa] =	wrdreg s12  }
0x17: {  	s22 =	simm.s32 $0x1;
	s26 =	simm.s32 $0x18A00;
	[dreg:$0xc] =	wrdreg s6  }
0x18: {  	s24 =	simm.s32 $0x180;
	s0 =	sadd.s32 $0x15C800, s0;
	[dreg:$0x7] =	wrdreg s26  }
0x19: {  	s25 =	sadd.s32 s23, s5;
	s23 =	simm.s32 $0x19000;
	[dreg:$0x11] =	wrdreg s8  }
0x1a: {  	s26 =	simm.s32 $0x2;
	s6 =	simm.s32 $0x0;
	[dreg:$0xe] =	wrdreg s0  }
0x1b: {  	s0 =	sadd.s32 s18, s5;
	[dreg:$0x6] =	wrdreg s25;
	s18 =	simm.s32 $0x18700  }
0x1c: {  	s25 =	simm.s32 $0x19300;
	[dreg:$0x4] =	wrdreg s0;
	s0 =	sadd.s32 s21, s5  }
0x1d: {  	s21 =	simm.s32 $0x18E80;
	[dreg:$0x5] =	wrdreg s0;
	s0 =	simm.s32 $0x3  }
.LBB2_1:
0x1e: {  	s1 =	rddreg [dreg:$0x8]  }
0x1f: {  	[spmem:s8], [sflag:s7] =	dma.local [hbm:s1], $0x30E0  }
0x20: {  	_ =	swait.ge [sflag:s17], $0x30E0  }
0x21: {  	[sflag:s17] =	ssyncset.done $0x0  }
0x22: {  	[sflag:s17] =	ssyncadd.s32 $0xFFFFCF20  }
0x23: {  	[bflag:$0x0] =	sbarrier.arrive $0xFFFF  }
0x24: {  	s7 =	rddreg [dreg:$0xa]  }
0x25: {  	[tilespmem:s18], [sflag:$0x1] =	stream.linear.gather [hbm4b:s7+s3], $0x180, $0x38;
	[tilespmem:$0x1F300] =	vst v63  }
0x26: {  	s8 =	rddreg [dreg:$0xb]  }
0x27: {  	[tilespmem:s19], [sflag:$0x1] =	stream.linear.gather [hbm4b:s8+s3], $0x180, $0x38;
	[tilespmem:$0x1F300] =	vst v63  }
0x28: {  	s9 =	rddreg [dreg:$0xc]  }
0x29: {  	[tilespmem:s20], [sflag:$0x2] =	stream.linear.gather [hbm4b:s9+s3], $0x180, $0x38;
	[tilespmem:$0x1F300] =	vst v63  }
0x2a: {  	s10 =	rddreg [dreg:$0xd]  }
0x2b: {  	[tilespmem:s21], [sflag:$0x2] =	stream.linear.gather [hbm4b:s10+s3], $0x180, $0x38;
	[tilespmem:$0x1F300] =	vst v63  }
0x2c: {  	_ =	swait.ge [sflag:s22], $0x180  }
0x2d: {  	[sflag:s22] =	ssyncset.done $0x0  }
0x2e: {  	[sflag:s22] =	ssyncadd.s32 $0xFFFFFE80  }
0x2f: {  	_ =	swait.ge [sflag:s22], $0x180  }
0x30: {  	p0 =	por $0x1, $0x1;
	[sflag:s22] =	ssyncset.done $0x0  }
0x31: {  	s8 =	simm.s32 @!p0 $0x3;
	[sflag:s22] =	ssyncadd.s32 $0xFFFFFE80  }
0x32: {  	_ =	swait.ge @!p0 [sflag:s8], $0x3000  }
0x33: {  	s11 =	sadd.s32 $0x0, s14;
	s10 =	rddreg [dreg:$0x6];
	[sflag:s8] =	ssyncset.done @!p0 $0x0  }
0x34: {  	s15 =	rddreg [dreg:$0x7];
	[sflag:s8] =	ssyncadd.s32 @!p0 $0xFFFFD000;
	s10 =	sadd.s32 $0x0, s10  }
0x35: {  	[tilespmem:s15], [sflag:$0x1] =	stream.linear.gather [hbm4b:s10+s3], $0x180, $0x38;
	[tilespmem:$0x1F300] =	vst v63  }
0x36: {  	s12 =	sadd.s32 $0x60, s11  }
0x37: {  	[tilespmem:s23], [sflag:$0x1] =	stream.linear.gather [hbm4b:s12+s3], $0x180, $0x38;
	[tilespmem:$0x1F300] =	vst v63  }
0x38: {  	_ = 	snop  }
0x39: {  	[tilespmem:s25], [sflag:$0x5] =	stream.indirect.gather [hbm4b:s4+s24], $0x20, s18, s24, $0xb8;
	[tilespmem:$0x1F300] =	vst v63  }
0x3a: {  	_ =	swait.ge [sflag:s26], $0x180  }
0x3b: {  	[sflag:s26] =	ssyncset.done $0x0  }
0x3c: {  	[sflag:s26] =	ssyncadd.s32 $0xFFFFFE80  }
0x3d: {  	_ =	swait.ge [sflag:s26], $0x180  }
0x3e: {  	[sflag:s26] =	ssyncset.done $0x0  }
0x3f: {  	s10 =	simm.s32 @!p0 $0x4;
	[sflag:s26] =	ssyncadd.s32 $0xFFFFFE80  }
0x40: {  	_ =	swait.ge @!p0 [sflag:s10], $0x3000  }
0x41: {  	s13 =	rddreg [dreg:$0x5];
	[sflag:s10] =	ssyncset.done @!p0 $0x0  }
0x42: {  	[sflag:s10] =	ssyncadd.s32 @!p0 $0xFFFFD000;
	s16 =	sadd.s32 $0x0, s13  }
0x43: {  	[tilespmem:s28], [sflag:$0x2] =	stream.linear.gather [hbm4b:s16+s3], $0x180, $0x38;
	[tilespmem:$0x1F300] =	vst v63  }
0x44: {  	s8 =	sadd.s32 $0x90, s11  }
0x45: {  	[tilespmem:s29], [sflag:$0x2] =	stream.linear.gather [hbm4b:s8+s3], $0x180, $0x38;
	[tilespmem:$0x1F300] =	vst v63  }
0x46: {  	_ = 	snop  }
0x47: {  	[tilespmem:s30], [sflag:$0x5] =	stream.indirect.gather [hbm4b:s4+s24], $0x20, s20, s24, $0xb8;
	[tilespmem:$0x1F300] =	vst v63  }
0x48: {  	_ =	swait.ge [sflag:s31], $0x3000  }
0x49: {  	[sflag:s31] =	ssyncset.done $0x0  }
0x4a: {  	[sflag:s31] =	ssyncadd.s32 $0xFFFFD000  }
0x4b: {  	[spmem:s2] =	stream.indirect.scatter.add.f32 [tilespmem:s25], [sflag:$0x3], $0x20, s19, s24, $0xb8;
	[tilespmem:$0x1F300] =	vst v63  }
0x4c: {  	_ =	swait.ge [sflag:s31], $0x3000  }
0x4d: {  	[sflag:s31] =	ssyncset.done $0x0  }
0x4e: {  	[sflag:s31] =	ssyncadd.s32 $0xFFFFD000  }
0x4f: {  	[spmem:s2] =	stream.indirect.scatter.add.f32 [tilespmem:s30], [sflag:$0x4], $0x20, s21, s24, $0xb8;
	[tilespmem:$0x1F300] =	vst v63  }
0x50: {  	_ =	swait.ge [sflag:s22], $0x180  }
0x51: {  	[sflag:s22] =	ssyncset.done $0x0  }
0x52: {  	[sflag:s22] =	ssyncadd.s32 $0xFFFFFE80  }
0x53: {  	_ =	swait.ge [sflag:s22], $0x180  }
0x54: {  	[sflag:s22] =	ssyncset.done $0x0  }
0x55: {  	[sflag:s22] =	ssyncadd.s32 $0xFFFFFE80  }
0x56: {  	p0 =	por $0x0, $0x0;
	_ =	swait.ge [sflag:s0], $0x3000  }
0x57: {  	s10 =	simm.s32 @p0 $0x18A00;
	s15 =	simm.s32 @p0 $0x19300;
	[sflag:s0] =	ssyncset.done $0x0  }
0x58: {  	s11 =	simm.s32 @p0 $0x2;
	s8 =	simm.s32 @p0 $0x180;
	[sflag:s0] =	ssyncadd.s32 $0xFFFFD000  }
0x59: {  	[tilespmem:s15], [sflag:$0x5] =	stream.indirect.gather @p0 [hbm4b:s4+s8], $0x20, s10, s8, $0xb8;
	[tilespmem:$0x1F300] =	vst v63  }
0x5a: {  	_ =	swait.ge @p0 [sflag:s11], $0x180  }
0x5b: {  	[sflag:s11] =	ssyncset.done @p0 $0x0  }
0x5c: {  	[sflag:s11] =	ssyncadd.s32 @p0 $0xFFFFFE80  }
0x5d: {  	_ =	swait.ge @p0 [sflag:s11], $0x180  }
0x5e: {  	[sflag:s11] =	ssyncset.done @p0 $0x0  }
0x5f: {  	s8 =	simm.s32 @p0 $0x4;
	[sflag:s11] =	ssyncadd.s32 @p0 $0xFFFFFE80  }
0x60: {  	s12 =	simm.s32 @!p0 $0x18700;
	s1 =	rddreg [dreg:$0x10];
	_ =	swait.ge @p0 [sflag:s8], $0x3000  }
0x61: {  	s15 =	simm.s32 @!p0 $0x0;
	s10 =	sshrl.u32 @!p0 s1, $0x3;
	[sflag:s8] =	ssyncset.done @p0 $0x0  }
0x62: {  	s11 =	sadd.s32 @!p0 $0x0, s14;
	s10 =	sadd.s32 @!p0 s5, s10;
	[sflag:s8] =	ssyncadd.s32 @p0 $0xFFFFD000  }
0x63: {  	[tilespmem:s12], [sflag:$0x1] =	stream.linear.gather @!p0 [hbm4b:s10+s15], $0x180, $0x38;
	[tilespmem:$0x1F300] =	vst v63  }
0x64: {  	s8 =	sadd.s32 @!p0 $0xC0, s11;
	s10 =	simm.s32 @!p0 $0x18D00  }
0x65: {  	[tilespmem:s10], [sflag:$0x1] =	stream.linear.gather @!p0 [hbm4b:s8+s15], $0x180, $0x38;
	[tilespmem:$0x1F300] =	vst v63  }
0x66: {  	s12 =	simm.s32 @!p0 $0x19300;
	s8 =	simm.s32 @!p0 $0x180;
	s10 =	simm.s32 @!p0 $0x18A00  }
0x67: {  	[tilespmem:s12], [sflag:$0x5] =	stream.indirect.gather @!p0 [hbm4b:s4+s8], $0x20, s10, s8, $0xb8;
	[tilespmem:$0x1F300] =	vst v63  }
0x68: {  	s8 =	simm.s32 @!p0 $0x2  }
0x69: {  	_ =	swait.ge @!p0 [sflag:s8], $0x180  }
0x6a: {  	[sflag:s8] =	ssyncset.done @!p0 $0x0  }
0x6b: {  	[sflag:s8] =	ssyncadd.s32 @!p0 $0xFFFFFE80  }
0x6c: {  	_ =	swait.ge @!p0 [sflag:s8], $0x180  }
0x6d: {  	[sflag:s8] =	ssyncset.done @!p0 $0x0  }
0x6e: {  	s10 =	simm.s32 @!p0 $0x4;
	[sflag:s8] =	ssyncadd.s32 @!p0 $0xFFFFFE80  }
0x6f: {  	_ =	swait.ge @!p0 [sflag:s10], $0x3000  }
0x70: {  	s8 =	rddreg [dreg:$0x4];
	[sflag:s10] =	ssyncset.done @!p0 $0x0  }
0x71: {  	[sflag:s10] =	ssyncadd.s32 @!p0 $0xFFFFD000;
	s10 =	simm.s32 @!p0 $0x18880;
	s8 =	sadd.s32 @!p0 $0x0, s8  }
0x72: {  	[tilespmem:s10], [sflag:$0x2] =	stream.linear.gather @!p0 [hbm4b:s8+s15], $0x180, $0x38;
	[tilespmem:$0x1F300] =	vst v63  }
0x73: {  	s8 =	sadd.s32 @!p0 $0xF0, s11;
	s10 =	simm.s32 @!p0 $0x18E80  }
0x74: {  	[tilespmem:s10], [sflag:$0x2] =	stream.linear.gather @!p0 [hbm4b:s8+s15], $0x180, $0x38;
	[tilespmem:$0x1F300] =	vst v63  }
0x75: {  	_ = 	snop  }
0x76: {  	[tilespmem:s30], [sflag:$0x5] =	stream.indirect.gather [hbm4b:s4+s24], $0x20, s28, s24, $0xb8;
	[tilespmem:$0x1F300] =	vst v63  }
0x77: {  	_ =	swait.ge [sflag:s31], $0x3000  }
0x78: {  	[sflag:s31] =	ssyncset.done $0x0  }
0x79: {  	[sflag:s31] =	ssyncadd.s32 $0xFFFFD000  }
0x7a: {  	[spmem:s2] =	stream.indirect.scatter.add.f32 [tilespmem:s25], [sflag:$0x3], $0x20, s23, s24, $0xb8;
	[tilespmem:$0x1F300] =	vst v63  }
0x7b: {  	_ =	swait.ge [sflag:s31], $0x3000  }
0x7c: {  	s8 =	simm.s32 $0xC0;
	s15 =	smov.u32 s1;
	[sflag:s31] =	ssyncset.done $0x0  }
.LBB2_2:
0x7d: {  	[sflag:s31] =	ssyncadd.s32 $0xFFFFD000  }
0x7e: {  	[spmem:s2] =	stream.indirect.scatter.add.f32 [tilespmem:s30], [sflag:$0x4], $0x20, s29, s24, $0xb8;
	[tilespmem:$0x1F300] =	vst v63  }
0x7f: {  	_ =	swait.ge [sflag:s22], $0x180  }
0x80: {  	[sflag:s22] =	ssyncset.done $0x0  }
0x81: {  	[sflag:s22] =	ssyncadd.s32 $0xFFFFFE80  }
0x82: {  	s10 =	smov.u32 s8;
	_ =	swait.ge [sflag:s22], $0x180  }
0x83: {  	p1 =	seq.s32 s10, $0x0;
	[sflag:s22] =	ssyncset.done $0x0  }
0x84: {  	s11 =	simm.s32 @!p1 $0x3;
	[sflag:s22] =	ssyncadd.s32 $0xFFFFFE80  }
0x85: {  	_ =	swait.ge @!p1 [sflag:s11], $0x3000  }
0x86: {  	s1 =	sadd.s32 s10, s14;
	s12 =	rddreg [dreg:$0x6];
	[sflag:s11] =	ssyncset.done @!p1 $0x0  }
0x87: {  	s13 =	rddreg [dreg:$0x7];
	[sflag:s11] =	ssyncadd.s32 @!p1 $0xFFFFD000;
	s12 =	sadd.s32 s10, s12  }
0x88: {  	[tilespmem:s13], [sflag:$0x1] =	stream.linear.gather [hbm4b:s12+s3], $0x180, $0x38;
	[tilespmem:$0x1F300] =	vst v63  }
0x89: {  	s7 =	sadd.s32 $0x60, s1  }
0x8a: {  	[tilespmem:s23], [sflag:$0x1] =	stream.linear.gather [hbm4b:s7+s3], $0x180, $0x38;
	[tilespmem:$0x1F300] =	vst v63  }
0x8b: {  	_ = 	snop  }
0x8c: {  	[tilespmem:s25], [sflag:$0x5] =	stream.indirect.gather [hbm4b:s4+s24], $0x20, s18, s24, $0xb8;
	[tilespmem:$0x1F300] =	vst v63  }
0x8d: {  	_ =	swait.ge [sflag:s26], $0x180  }
0x8e: {  	[sflag:s26] =	ssyncset.done $0x0  }
0x8f: {  	[sflag:s26] =	ssyncadd.s32 $0xFFFFFE80  }
0x90: {  	_ =	swait.ge [sflag:s26], $0x180  }
0x91: {  	[sflag:s26] =	ssyncset.done $0x0  }
0x92: {  	s12 =	simm.s32 @!p1 $0x4;
	[sflag:s26] =	ssyncadd.s32 $0xFFFFFE80  }
0x93: {  	_ =	swait.ge @!p1 [sflag:s12], $0x3000  }
0x94: {  	s9 =	rddreg [dreg:$0x5];
	[sflag:s12] =	ssyncset.done @!p1 $0x0  }
0x95: {  	[sflag:s12] =	ssyncadd.s32 @!p1 $0xFFFFD000;
	s16 =	sadd.s32 s10, s9  }
0x96: {  	[tilespmem:s28], [sflag:$0x2] =	stream.linear.gather [hbm4b:s16+s3], $0x180, $0x38;
	[tilespmem:$0x1F300] =	vst v63  }
0x97: {  	s11 =	sadd.s32 $0x90, s1  }
0x98: {  	[tilespmem:s29], [sflag:$0x2] =	stream.linear.gather [hbm4b:s11+s3], $0x180, $0x38;
	[tilespmem:$0x1F300] =	vst v63  }
0x99: {  	_ = 	snop  }
0x9a: {  	[tilespmem:s30], [sflag:$0x5] =	stream.indirect.gather [hbm4b:s4+s24], $0x20, s20, s24, $0xb8;
	[tilespmem:$0x1F300] =	vst v63  }
0x9b: {  	_ =	swait.ge [sflag:s31], $0x3000  }
0x9c: {  	[sflag:s31] =	ssyncset.done $0x0  }
0x9d: {  	[sflag:s31] =	ssyncadd.s32 $0xFFFFD000  }
0x9e: {  	[spmem:s2] =	stream.indirect.scatter.add.f32 [tilespmem:s25], [sflag:$0x3], $0x20, s19, s24, $0xb8;
	[tilespmem:$0x1F300] =	vst v63  }
0x9f: {  	_ =	swait.ge [sflag:s31], $0x3000  }
0xa0: {  	[sflag:s31] =	ssyncset.done $0x0  }
0xa1: {  	[sflag:s31] =	ssyncadd.s32 $0xFFFFD000  }
0xa2: {  	[spmem:s2] =	stream.indirect.scatter.add.f32 [tilespmem:s30], [sflag:$0x4], $0x20, s21, s24, $0xb8;
	[tilespmem:$0x1F300] =	vst v63  }
0xa3: {  	_ =	swait.ge [sflag:s22], $0x180  }
0xa4: {  	[sflag:s22] =	ssyncset.done $0x0  }
0xa5: {  	[sflag:s22] =	ssyncadd.s32 $0xFFFFFE80  }
0xa6: {  	_ =	swait.ge [sflag:s22], $0x180  }
0xa7: {  	[sflag:s22] =	ssyncset.done $0x0  }
0xa8: {  	[sflag:s22] =	ssyncadd.s32 $0xFFFFFE80  }
0xa9: {  	p1 =	seq.s32 s10, $0x1800;
	_ =	swait.ge [sflag:s0], $0x3000  }
0xaa: {  	s12 =	simm.s32 @p1 $0x18A00;
	s13 =	simm.s32 @p1 $0x19300;
	[sflag:s0] =	ssyncset.done $0x0  }
0xab: {  	s1 =	simm.s32 @p1 $0x2;
	s11 =	simm.s32 @p1 $0x180;
	[sflag:s0] =	ssyncadd.s32 $0xFFFFD000  }
0xac: {  	[tilespmem:s13], [sflag:$0x5] =	stream.indirect.gather @p1 [hbm4b:s4+s11], $0x20, s12, s11, $0xb8;
	[tilespmem:$0x1F300] =	vst v63  }
0xad: {  	_ =	swait.ge @p1 [sflag:s1], $0x180  }
0xae: {  	[sflag:s1] =	ssyncset.done @p1 $0x0  }
0xaf: {  	[sflag:s1] =	ssyncadd.s32 @p1 $0xFFFFFE80  }
0xb0: {  	_ =	swait.ge @p1 [sflag:s1], $0x180  }
0xb1: {  	[sflag:s1] =	ssyncset.done @p1 $0x0  }
0xb2: {  	s7 =	simm.s32 @p1 $0x4;
	[sflag:s1] =	ssyncadd.s32 @p1 $0xFFFFFE80  }
0xb3: {  	s15 =	sadd.s32 $0x600, s15;
	s9 =	simm.s32 @!p1 $0x18700;
	_ =	swait.ge @p1 [sflag:s7], $0x3000  }
0xb4: {  	s11 =	sshrl.u32 @!p1 s15, $0x3;
	s12 =	sadd.s32 @!p1 s10, s14;
	[sflag:s7] =	ssyncset.done @p1 $0x0  }
0xb5: {  	s11 =	sadd.s32 @!p1 s5, s11;
	s1 =	simm.s32 @!p1 $0x0;
	[sflag:s7] =	ssyncadd.s32 @p1 $0xFFFFD000  }
0xb6: {  	[tilespmem:s9], [sflag:$0x1] =	stream.linear.gather @!p1 [hbm4b:s11+s1], $0x180, $0x38;
	[tilespmem:$0x1F300] =	vst v63  }
0xb7: {  	s16 =	simm.s32 @!p1 $0x19300;
	s13 =	sadd.s32 @!p1 $0xC0, s12;
	s7 =	simm.s32 @!p1 $0x18D00  }
0xb8: {  	[tilespmem:s7], [sflag:$0x1] =	stream.linear.gather @!p1 [hbm4b:s13+s1], $0x180, $0x38;
	[tilespmem:$0x1F300] =	vst v63  }
0xb9: {  	s9 =	simm.s32 @!p1 $0x180;
	s11 =	simm.s32 @!p1 $0x18A00;
	s7 =	simm.s32 @!p1 $0x2  }
0xba: {  	[tilespmem:s16], [sflag:$0x5] =	stream.indirect.gather @!p1 [hbm4b:s4+s9], $0x20, s11, s9, $0xb8;
	[tilespmem:$0x1F300] =	vst v63  }
0xbb: {  	_ =	swait.ge @!p1 [sflag:s7], $0x180  }
0xbc: {  	[sflag:s7] =	ssyncset.done @!p1 $0x0  }
0xbd: {  	[sflag:s7] =	ssyncadd.s32 @!p1 $0xFFFFFE80  }
0xbe: {  	_ =	swait.ge @!p1 [sflag:s7], $0x180  }
0xbf: {  	[sflag:s7] =	ssyncset.done @!p1 $0x0  }
0xc0: {  	s9 =	simm.s32 @!p1 $0x4;
	[sflag:s7] =	ssyncadd.s32 @!p1 $0xFFFFFE80  }
0xc1: {  	_ =	swait.ge @!p1 [sflag:s9], $0x3000  }
0xc2: {  	s7 =	rddreg [dreg:$0x4];
	[sflag:s9] =	ssyncset.done @!p1 $0x0  }
0xc3: {  	[sflag:s9] =	ssyncadd.s32 @!p1 $0xFFFFD000;
	s9 =	simm.s32 @!p1 $0x18880;
	s7 =	sadd.s32 @!p1 s10, s7  }
0xc4: {  	[tilespmem:s9], [sflag:$0x2] =	stream.linear.gather @!p1 [hbm4b:s7+s1], $0x180, $0x38;
	[tilespmem:$0x1F300] =	vst v63  }
0xc5: {  	s12 =	sadd.s32 @!p1 $0xF0, s12;
	s10 =	simm.s32 @!p1 $0x18E80  }
0xc6: {  	[tilespmem:s10], [sflag:$0x2] =	stream.linear.gather @!p1 [hbm4b:s12+s1], $0x180, $0x38;
	[tilespmem:$0x1F300] =	vst v63  }
0xc7: {  	s8 =	sadd.s32 $0xC0, s8  }
0xc8: {  	[tilespmem:s30], [sflag:$0x5] =	stream.indirect.gather [hbm4b:s4+s24], $0x20, s28, s24, $0xb8;
	[tilespmem:$0x1F300] =	vst v63  }
0xc9: {  	p0 =	sne.s32 s8, $0x18C0;
	_ =	swait.ge [sflag:s31], $0x3000  }
.Ltmp0:
0xca: {  	[sflag:s31] =	ssyncset.done $0x0;
	(pc) =	sbr.rel @p0 .LBB2_2-.Ltmp0, $4  }
0xcb: {  	[sflag:s31] =	ssyncadd.s32 $0xFFFFD000  }
0xcc: {  	[spmem:s2] =	stream.indirect.scatter.add.f32 [tilespmem:s25], [sflag:$0x3], $0x20, s23, s24, $0xb8;
	[tilespmem:$0x1F300] =	vst v63  }
0xcd: {  	_ =	swait.ge [sflag:s31], $0x3000  }
0xce: {  	[sflag:s31] =	ssyncset.done $0x0  }
0xcf: {  	[sflag:s31] =	ssyncadd.s32 $0xFFFFD000  }
0xd0: {  	[spmem:s2] =	stream.indirect.scatter.add.f32 [tilespmem:s30], [sflag:$0x4], $0x20, s29, s24, $0xb8;
	[tilespmem:$0x1F300] =	vst v63  }
0xd1: {  	_ =	swait.ge [sflag:s0], $0x3000  }
0xd2: {  	[sflag:s0] =	ssyncset.done $0x0  }
0xd3: {  	s1 =	simm.s32 $0x4;
	[sflag:s0] =	ssyncadd.s32 $0xFFFFD000  }
0xd4: {  	_ =	swait.ge [sflag:s1], $0x3000  }
0xd5: {  	[sflag:s1] =	ssyncset.done $0x0  }
0xd6: {  	[sflag:s1] =	ssyncadd.s32 $0xFFFFD000  }
0xd7: {  	[bflag:$0x0] =	sbarrier.arrive $0xFFFF  }
0xd8: {  	s7 =	rddreg [dreg:$0x9]  }
0xd9: {  	s15 =	rddreg [dreg:$0xe]  }
0xda: {  	s8 =	rddreg [dreg:$0x11]  }
0xdb: {  	[hbm:s15], [sflag:s7] =	dma.local [spmem:s8], $0x30E0  }
0xdc: {  	_ =	swait.ge [sflag:s17], $0x30E0  }
0xdd: {  	s6 =	sadd.s32 $0x1, s6;
	s16 =	rddreg [dreg:$0xf]  }
0xde: {  	p0 =	sne.s32 s6, s16  }
.Ltmp1:
0xdf: {  	_ = 	snop;
	(pc) =	sbr.rel @p0 .LBB2_1-.Ltmp1, $3  }
0xe0: {  	_ =	sdelay $0x1  }
0xe1: {  	[sflag:s17] =	ssyncset.done $0x0  }
0xe2: {  	[sflag:s17] =	ssyncadd.s32 $0xFFFFCF20  }
0xe3: {  	_ =	sfence.sel $0x180000  }
0xe4: {  	[bflag:$0x0] =	sbarrier.arrive $0xFFFF  }
0xe5: {  	_ =	strace $0x90000047  }
0xe6: {  	s0 =	stileid.u32;
	[bflag:$0x2] =	sbarrier.arrive $0xFFFF  }
0xe7: {  	p0 =	sne.s32 s0, $0x0;
	s0 =	rddreg [dreg:$0x3]  }
0xe8: {  	s0 =	sadd.s32 @!p0 $0x100000, s0  }
0xe9: {  	[sflag:s0] =	ssyncadd.tile.s32 @!p0 $0x1;
	_ =	shalt  }
.Lfunc_end2:
_tile_overlayer_lowered:
.L_overlay_start_2:
0xea: {  	(tag) =	ssettag $0x2  }
0xeb: {  	s0 =	rddreg [dreg:$0x0];
	s2 =	stileid.u32  }
0xec: {  	s1 =	rddreg [dreg:$0x1];
	p0 =	sne.s32 s2, $0x0  }
0xed: {  	s3 =	rddreg [dreg:$0x2];
	[bflag:$0x3] =	sbarrier.arrive $0xFFFF;
	s2 =	simm.s32 @!p0 $0x1C06  }
0xee: {  	[timem:s3], [sflag:s2] =	dma.local @!p0 [hbm:s0], s1  }
0xef: {  	s0 =	simm.s32 @!p0 $0x6  }
0xf0: {  	_ =	swait.ge @!p0 [sflag:s0], s1  }
0xf1: {  	s1 =	ssub.s32 @!p0 $0x0, s1;
	[sflag:s0] =	ssyncset.done @!p0 $0x0  }
0xf2: {  	[sflag:s0] =	ssyncadd.s32 @!p0 s1  }
0xf3: {  	[bflag:$0x3] =	sbarrier.arrive $0xFFFF  }
0xf4: {  	_ =	shalt  }

// kernel: sage_seg_sum.7.cloned.1.call-start
scs
__scs_entry_jumppad:
0x0: {  	(pc) =	sbr.rel $0x88, $3  }
0x1: {  	(tag) =	ssettag $0x0;
	lr =	simm.s32 $0x1  }
0x2: {  	[smem:$0x3F98] =	sst lr;
	_ =	strace $0xD0000000  }
0x3: {  	_ = 	snop  }
0x4: {  	_ = 	snop  }
0x5: {  	_ = 	snop  }
0x6: {  	_ = 	snop  }
0x7: {  	_ = 	snop  }
__scs_overlays_trampoline_lowered:
0x8: {  	[smem:$0x3FA7] =	sst s0  }
0x9: {  	[smem:$0x3FA8] =	sst s1  }
0xa: {  	[smem:$0x3FA9] =	sst s2  }
0xb: {  	[smem:$0x3FAA] =	sst s3  }
0xc: {  	[smem:$0x3FAB] =	sst s4  }
0xd: {  	[smem:$0x3FAC] =	sst s5  }
0xe: {  	[smem:$0x3FAD] =	sst s6  }
0xf: {  	[smem:$0x3FAE] =	sst s7  }
0x10: {  	[smem:$0x3FAF] =	sst s8  }
0x11: {  	[smem:$0x3FB0] =	sst s9;
	s0 =	simm.s32 @!p0 $0x0  }
0x12: {  	s1 =	sld [smem:$0x3F96];
	s0 =	simm.s32 @p0 $0x1  }
0x13: {  	[smem:$0x3FB1] =	sst s0;
	s0 =	simm.s32 @!p1 $0x0  }
0x14: {  	s2 =	sld [smem:$0x3F95];
	s0 =	simm.s32 @p1 $0x1  }
0x15: {  	[smem:$0x3FB2] =	sst s0;
	s0 =	simm.s32 @!p2 $0x0  }
0x16: {  	s3 =	sld [smem:$0x3FDB];
	s0 =	simm.s32 @p2 $0x1  }
0x17: {  	s4 =	simm.s32 $0x1BF5;
	[smem:$0x3FB4] =	sst s0  }
0x18: {  	s0 =	sld [smem:$0x3F97];
	_ =	swait.ge [sflag:s4], $0x0  }
0x19: {  	s7 =	sld [smem:$0x3F98]  }
0x1a: {  	s8 =	sadd.s32 $0xFFFFE003, lr  }
0x1b: {  	s9 =	sadd.s32 $0xFFFFFEF7, lr;
	s5 =	simm.s32 $0xFFFFFFFF;
	p2 =	slt.u32 s8, $0xFFFFF086  }
0x1c: {  	p1 =	slt.u32 s9, $0xF7A;
	s5 =	simm.s32 @!p2 $0x0  }
0x1d: {  	s5 =	simm.s32 @p1 $0x1;
	p0 =	seq.s32 s7, s2  }
0x1e: {  	s7 =	smul.u32 @!p0 $0xF7A, s2;
	p2 =	seq.s32 @!p0 s5, $0x0  }
0x1f: {  	s9 =	smul.u32 $0xF7A, s1;
	s8 =	simm.s32 @!p0 $0x1BF5;
	p2 =	por !p2, p0  }
0x20: {  	[sflag:s8] =	ssyncset.s32 @!p0 $0xFFFFF086;
	s6 =	sadd.s32 @!p0 s3, s7;
	s7 =	simm.s32 @!p0 $0x108  }
0x21: {  	s3 =	sadd.s32 s3, s9;
	s6 =	sadd.s32 @!p0 $0x88, s6;
	s7 =	simm.s32 @p2 $0x1082  }
0x22: {  	[simem:s7], [sflag:s8] =	dma.local @!p0 [hbm:s6], $0xF7A  }
0x23: {  	s9 =	sor.u32 $0xD0000000, s2;
	s6 =	simm.s32 $0x108;
	_ =	swait.ge @!p0 [sflag:s8], $0x0  }
0x24: {  	s3 =	sadd.s32 $0x88, s3;
	s6 =	simm.s32 @!p1 $0x1082;
	[sflag:s4] =	ssyncset.s32 $0xFFFFF086  }
0x25: {  	[simem:s6], [sflag:s4] =	dma.local [hbm:s3], $0xF7A  }
0x26: {  	[smem:$0x3F98] =	sst s1;
	(tag) =	ssettag s2;
	_ =	strace s9  }
0x27: {  	s1 =	sld [smem:$0x3FA8]  }
0x28: {  	s2 =	sld [smem:$0x3FA9]  }
0x29: {  	s4 =	sld [smem:$0x3FAB]  }
0x2a: {  	p0 =	seq.s32 s5, $0x0;
	s5 =	sld [smem:$0x3FAC]  }
0x2b: {  	s6 =	sld [smem:$0x3FAD]  }
0x2c: {  	s7 =	sld [smem:$0x3FAE]  }
0x2d: {  	s3 =	simm.s32 $0x108;
	s8 =	sld [smem:$0x3FAF]  }
0x2e: {  	s3 =	simm.s32 @!p0 $0x1082;
	s9 =	sld [smem:$0x3FB0]  }
0x2f: {  	lr =	sadd.s32 s0, s3;
	s0 =	sld [smem:$0x3FA7]  }
0x30: {  	s3 =	sld [smem:$0x3FAA]  }
0x31: {  	[smem:$0x3FB3] =	sst s10  }
0x32: {  	s10 =	sld [smem:$0x3FB1];
	_ =	sdelay $0x3  }
0x33: {  	p0 =	seq.s32 s10, $0x1;
	s10 =	sld [smem:$0x3FB3];
	_ =	sdelay $0x3  }
0x34: {  	[smem:$0x3FB3] =	sst s10  }
0x35: {  	s10 =	sld [smem:$0x3FB2];
	_ =	sdelay $0x3  }
0x36: {  	p1 =	seq.s32 s10, $0x1;
	s10 =	sld [smem:$0x3FB3];
	_ =	sdelay $0x3  }
0x37: {  	[smem:$0x3FB3] =	sst s10  }
0x38: {  	s10 =	sld [smem:$0x3FB4]  }
0x39: {  	_ = 	snop;
	(pc) =	sbr.ind lr, $3  }
0x3a: {  	_ = 	snop  }
0x3b: {  	_ = 	snop  }
0x3c: {  	p2 =	seq.s32 s10, $0x1;
	s10 =	sld [smem:$0x3FB3]  }
0x3d: {  	_ =	shalt  }
0x3e: {  	_ =	shalt  }
0x3f: {  	_ =	shalt  }
0x40: {  	_ =	shalt  }
0x41: {  	_ =	shalt  }
0x42: {  	_ =	shalt  }
0x43: {  	_ =	shalt  }
0x44: {  	_ =	shalt  }
0x45: {  	_ =	shalt  }
0x46: {  	_ =	shalt  }
0x47: {  	_ =	shalt  }
0x48: {  	_ =	shalt  }
0x49: {  	_ =	shalt  }
0x4a: {  	_ =	shalt  }
0x4b: {  	_ =	shalt  }
0x4c: {  	_ =	shalt  }
0x4d: {  	_ =	shalt  }
0x4e: {  	_ =	shalt  }
0x4f: {  	_ =	shalt  }
0x50: {  	_ =	shalt  }
0x51: {  	_ =	shalt  }
0x52: {  	_ =	shalt  }
0x53: {  	_ =	shalt  }
0x54: {  	_ =	shalt  }
0x55: {  	_ =	shalt  }
0x56: {  	_ =	shalt  }
0x57: {  	_ =	shalt  }
0x58: {  	_ =	shalt  }
0x59: {  	_ =	shalt  }
0x5a: {  	_ =	shalt  }
0x5b: {  	_ =	shalt  }
0x5c: {  	_ =	shalt  }
0x5d: {  	_ =	shalt  }
0x5e: {  	_ =	shalt  }
0x5f: {  	_ =	shalt  }
0x60: {  	_ =	shalt  }
0x61: {  	_ =	shalt  }
0x62: {  	_ =	shalt  }
0x63: {  	_ =	shalt  }
0x64: {  	_ =	shalt  }
0x65: {  	_ =	shalt  }
0x66: {  	_ =	shalt  }
0x67: {  	_ =	shalt  }
0x68: {  	_ =	shalt  }
0x69: {  	_ =	shalt  }
0x6a: {  	_ =	shalt  }
0x6b: {  	_ =	shalt  }
0x6c: {  	_ =	shalt  }
0x6d: {  	_ =	shalt  }
0x6e: {  	_ =	shalt  }
0x6f: {  	_ =	shalt  }
0x70: {  	_ =	shalt  }
0x71: {  	_ =	shalt  }
0x72: {  	_ =	shalt  }
0x73: {  	_ =	shalt  }
0x74: {  	_ =	shalt  }
0x75: {  	_ =	shalt  }
0x76: {  	_ =	shalt  }
0x77: {  	_ =	shalt  }
0x78: {  	_ =	shalt  }
0x79: {  	_ =	shalt  }
0x7a: {  	_ =	shalt  }
0x7b: {  	_ =	shalt  }
0x7c: {  	_ =	shalt  }
0x7d: {  	_ =	shalt  }
0x7e: {  	_ =	shalt  }
0x7f: {  	_ =	shalt  }
0x80: {  	_ =	shalt  }
0x81: {  	_ =	shalt  }
0x82: {  	_ =	shalt  }
0x83: {  	_ =	shalt  }
0x84: {  	_ =	shalt  }
0x85: {  	_ =	shalt  }
0x86: {  	_ =	shalt  }
0x87: {  	_ =	shalt  }
.Lfunc_end0:
.L_simem_size_0:
called_computation.2_lowered:
.L_overlay_start_0:
0x88: {  	s2 =	sld [smem:$0x3FD9]  }
0x89: {  	s3 =	sld [smem:$0x3FFE];
	_ =	sdelay $0x1  }
0x8a: {  	s1 =	srdreg.scid  }
0x8b: {  	s0 =	sand.u32 $0x1, s1  }
0x8c: {  	s14 =	sshll.u32 s0, $0xA;
	s2 =	sadd.s32 s3, s2  }
0x8d: {  	s2 =	sadd.s32 s2, s14  }
0x8e: {  	[smem:$0x3FBF] =	sst s2  }
0x8f: {  	_ = 	snop  }
0x90: {  	s2 =	sld [smem:$0x3FD0];
	_ =	sdelay $0x2  }
0x91: {  	s15 =	simm.s32 $0xB;
	s4 =	simm.s32 $0x10  }
0x92: {  	[smem:s4], [sflag:s15] =	dma.local [hbm:s2], $0x1  }
0x93: {  	_ =	swait.eq [sflag:s15], $0x1  }
0x94: {  	[sflag:s15] =	ssyncset.done $0x0  }
0x95: {  	[sflag:s15] =	ssyncadd.s32 $0xFFFFFFFF  }
0x96: {  	s16 =	sld [smem:$0x10];
	(tm) =	ssettm $0x1  }
0x97: {  	s17 =	sld [smem:$0x3FFB];
	_ =	sdelay $0x3  }
0x98: {  	_ =	strace s17  }
0x99: {  	s3 =	sld [smem:$0x3FFC];
	_ =	sdelay $0x3  }
0x9a: {  	_ =	strace s3  }
0x9b: {  	s3 =	sld [smem:$0x3FFD];
	_ =	sdelay $0x3  }
0x9c: {  	_ =	strace s3  }
0x9d: {  	_ =	strace $0x8FFFFFFF  }
0x9e: {  	s18 =	sld [smem:$0x3FDB];
	_ =	sdelay $0x1  }
0x9f: {  	s19 =	simm.s32 $_scs_section_size  }
0xa0: {  	s5 =	simm.s32 $_size__tile_overlayer_lowered;
	s6 =	simm.s32 $_tile_overlayer_lowered  }
0xa1: {  	s22 =	simm.s32 $0x1BFF;
	s21 =	sshll.u32 s6, $0x1;
	s3 =	sadd.s32 s19, s18  }
0xa2: {  	s7 =	simm.s32 $0x0;
	s20 =	sshll.u32 s5, $0x1;
	s5 =	sadd.s32 s21, s3  }
0xa3: {  	[timem:s7], [sflag:s22] =	dma.local [hbm:s5], s20  }
0xa4: {  	_ =	swait.ge [sflag:s22], s20  }
0xa5: {  	s4 =	ssub.s32 $0x0, s20;
	[sflag:s22] =	ssyncset.done $0x0  }
0xa6: {  	[sflag:s22] =	ssyncadd.s32 s4;
	_ =	sdelay $0x1  }
0xa7: {  	s23 =	simm.s32 $0x1B8B  }
0xa8: {  	_ =	swait.ge [sflag:s23], $0x1  }
0xa9: {  	[sflag:s23] =	ssyncset.done $0x0  }
0xaa: {  	s25 =	simm.s32 $0x1B8E;
	s24 =	sld [smem:$0x3FFE];
	[sflag:s23] =	ssyncadd.s32 $0xFFFFFFFF  }
0xab: {  	s26 =	simm.s32 $execute0_lowered;
	[smem:$0x3FD2] =	sst s25  }
0xac: {  	s5 =	sshll.u32 s26, $0x1;
	_ =	strace $0x8000004C;
	[dreg:$0x1] =	wrdreg $0xFFFFFFFF  }
0xad: {  	s28 =	simm.s32 $_size_execute0_lowered;
	s3 =	sadd.s32 s3, s5;
	[dreg:$0x0] =	wrdreg $0x0  }
0xae: {  	s5 =	sshll.u32 s28, $0x1;
	[dreg:$0x2] =	wrdreg s3  }
0xaf: {  	[dreg:$0x3] =	wrdreg s5  }
0xb0: {  	[dreg:$0x4] =	wrdreg $0xC0  }
0xb1: {  	_ =	task [dreg:s7], $0x5FFFF  }
0xb2: {  	[dreg:$0x1] =	wrdreg $0xFFFFFFFF  }
0xb3: {  	[dreg:$0x0] =	wrdreg $0x60  }
0xb4: {  	[dreg:$0x2] =	wrdreg s24  }
0xb5: {  	[dreg:$0x3] =	wrdreg s16  }
0xb6: {  	[dreg:$0x4] =	wrdreg $0x0  }
0xb7: {  	[dreg:$0x5] =	wrdreg $0x9  }
0xb8: {  	_ =	task.clear_ibuf [dreg:s7], $0x6FFFF;
	_ =	strace $0x9000004C  }
0xb9: {  	s29 =	simm.s32 $0x9;
	_ =	strace $0x8000004E  }
0xba: {  	_ =	swait.ge [sflag:s29], $0x1  }
0xbb: {  	[sflag:s29] =	ssyncadd.s32 $0xFFFFFFFF  }
0xbc: {  	_ =	strace $0x9000004E  }
0xbd: {  	_ =	sfence  }
0xbe: {  	s30 =	sld [smem:$0x0];
	_ =	sdelay $0x2  }
0xbf: {  	s31 =	sshll.u32 s1, $0xD;
	s1 =	sshrl.u32 s1, $0x2  }
0xc0: {  	s3 =	sand.u32 $0x4000, s31;
	s1 =	sadd.s32 s1, s30  }
0xc1: {  	s0 =	sor.u32 s3, s0;
	s1 =	sshll.u32 s1, $0x11  }
0xc2: {  	s0 =	sor.u32 s1, s0  }
0xc3: {  	s0 =	sadd.s32 $0x8F2B, s0  }
0xc4: {  	[sflag:s0] =	ssyncadd.remote.s32 $0x1  }
0xc5: {  	_ =	sfence.sel $0xFFFF  }
0xc6: {  	[dreg:$0x0] =	wrdreg $0xFFFFFFFF;
	(pc) =	sbr.abs _section_cstart, $3  }
0xc7: {  	[dreg:$0x1] =	wrdreg $0xFFFFFFFF  }
0xc8: {  	_ =	task.clear_ibuf [dreg:s7], $0x2FFFF;
	_ =	strace $0x9FFFFFFF  }
0xc9: {  	(tm) =	ssettm $0x7FFFFFFF  }
tec
execute0_lowered:
.L_overlay_start_1:
0x0: {  	(tag) =	ssettag $0x1  }
0x1: {  	s0 =	rddreg [dreg:$0x0]  }
0x2: {  	s1 =	rddreg [dreg:$0x1]  }
0x3: {  	s2 =	rddreg [dreg:$0x2];
	s4 =	srdreg.scid  }
0x4: {  	s14 =	stileid.u32;
	s3 =	simm.s32 $0x0;
	s28 =	simm.s32 $0x18B80  }
0x5: {  	s29 =	simm.s32 $0x19180;
	s30 =	simm.s32 $0x1C300;
	s31 =	simm.s32 $0x5  }
0x6: {  	s6 =	sand.u32 $0x1, s4;
	s7 =	smul.u32 $0x18700, s14;
	[smem:$0x7FF] =	sst s3  }
0x7: {  	s4 =	sadd.s32 $0x34200, s0;
	s5 =	sadd.s32 $0x2A00, s0;
	s11 =	smul.u32 $0xC600, s14  }
0x8: {  	s12 =	sadd.s32 $0x159600, s0;
	s24 =	sshll.u32 s14, $0x6;
	s19 =	smul.u32 $0x18C0, s14  }
0x9: {  	s8 =	smul.u32 $0x187000, s6;
	_ =	strace $0x8000004D;
	s9 =	ssub.s32 $0x2, s6  }
0xa: {  	s6 =	smul.u32 $0xC6000, s6;
	[dreg:$0x8] =	wrdreg s12;
	s10 =	sshrl.u32 s9, $0x1  }
0xb: {  	s13 =	sor.u32 $0x180, s11;
	s14 =	sadd.s32 s19, s1;
	s19 =	simm.s32 $0x18D00  }
0xc: {  	s8 =	sadd.s32 s7, s8;
	s23 =	ssub.s32 s9, s10;
	s10 =	sadd.s32 s7, s2  }
0xd: {  	s25 =	sadd.s32 s11, s6;
	s7 =	sor.u32 $0x1C06, s24;
	s11 =	sshrl.u32 s11, $0x3  }
0xe: {  	s6 =	sadd.s32 s6, s13;
	s13 =	sshrl.u32 s13, $0x3;
	s8 =	sshrl.u32 s8, $0x3  }
0xf: {  	s26 =	sshrl.u32 s25, $0x3;
	s11 =	sadd.s32 s1, s11;
	s6 =	sshrl.u32 s6, $0x3  }
0x10: {  	s15 =	sadd.s32 s1, s13;
	s16 =	sadd.s32 $0x780, s25;
	s17 =	smax.u32 s23, $0x1  }
0x11: {  	s20 =	sadd.s32 $0x480, s25;
	s22 =	sadd.s32 $0x300, s25;
	[dreg:$0x9] =	wrdreg s7  }
0x12: {  	s24 =	sadd.s32 $0x600, s25;
	s0 =	sadd.s32 s8, s0;
	[dreg:$0xb] =	wrdreg s11  }
0x13: {  	s12 =	sadd.s32 s5, s26;
	s6 =	sadd.s32 s5, s6;
	[dreg:$0xd] =	wrdreg s15  }
0x14: {  	[dreg:$0xf] =	wrdreg s17;
	s18 =	sshrl.u32 s16, $0x3;
	s21 =	sshrl.u32 s20, $0x3  }
0x15: {  	s23 =	sshrl.u32 s22, $0x3;
	[dreg:$0x10] =	wrdreg s24;
	s8 =	sshrl.u32 s10, $0x3  }
0x16: {  	s17 =	simm.s32 $0x6;
	s20 =	simm.s32 $0x18880;
	[dreg:$0xa] =	wrdreg s12  }
0x17: {  	s22 =	simm.s32 $0x1;
	s26 =	simm.s32 $0x18A00;
	[dreg:$0xc] =	wrdreg s6  }
0x18: {  	s24 =	simm.s32 $0x180;
	s0 =	sadd.s32 $0x95E00, s0;
	[dreg:$0x7] =	wrdreg s26  }
0x19: {  	s25 =	sadd.s32 s23, s5;
	s23 =	simm.s32 $0x19000;
	[dreg:$0x11] =	wrdreg s8  }
0x1a: {  	s26 =	simm.s32 $0x2;
	s6 =	simm.s32 $0x0;
	[dreg:$0xe] =	wrdreg s0  }
0x1b: {  	s0 =	sadd.s32 s18, s5;
	[dreg:$0x6] =	wrdreg s25;
	s18 =	simm.s32 $0x18700  }
0x1c: {  	s25 =	simm.s32 $0x19300;
	[dreg:$0x4] =	wrdreg s0;
	s0 =	sadd.s32 s21, s5  }
0x1d: {  	s21 =	simm.s32 $0x18E80;
	[dreg:$0x5] =	wrdreg s0;
	s0 =	simm.s32 $0x3  }
.LBB2_1:
0x1e: {  	s1 =	rddreg [dreg:$0x8]  }
0x1f: {  	[spmem:s8], [sflag:s7] =	dma.local [hbm:s1], $0x30E0  }
0x20: {  	_ =	swait.ge [sflag:s17], $0x30E0  }
0x21: {  	[sflag:s17] =	ssyncset.done $0x0  }
0x22: {  	[sflag:s17] =	ssyncadd.s32 $0xFFFFCF20  }
0x23: {  	[bflag:$0x0] =	sbarrier.arrive $0xFFFF  }
0x24: {  	s7 =	rddreg [dreg:$0xa]  }
0x25: {  	[tilespmem:s18], [sflag:$0x1] =	stream.linear.gather [hbm4b:s7+s3], $0x180, $0x38;
	[tilespmem:$0x1F300] =	vst v63  }
0x26: {  	s8 =	rddreg [dreg:$0xb]  }
0x27: {  	[tilespmem:s19], [sflag:$0x1] =	stream.linear.gather [hbm4b:s8+s3], $0x180, $0x38;
	[tilespmem:$0x1F300] =	vst v63  }
0x28: {  	s9 =	rddreg [dreg:$0xc]  }
0x29: {  	[tilespmem:s20], [sflag:$0x2] =	stream.linear.gather [hbm4b:s9+s3], $0x180, $0x38;
	[tilespmem:$0x1F300] =	vst v63  }
0x2a: {  	s10 =	rddreg [dreg:$0xd]  }
0x2b: {  	[tilespmem:s21], [sflag:$0x2] =	stream.linear.gather [hbm4b:s10+s3], $0x180, $0x38;
	[tilespmem:$0x1F300] =	vst v63  }
0x2c: {  	_ =	swait.ge [sflag:s22], $0x180  }
0x2d: {  	[sflag:s22] =	ssyncset.done $0x0  }
0x2e: {  	[sflag:s22] =	ssyncadd.s32 $0xFFFFFE80  }
0x2f: {  	_ =	swait.ge [sflag:s22], $0x180  }
0x30: {  	p0 =	por $0x1, $0x1;
	[sflag:s22] =	ssyncset.done $0x0  }
0x31: {  	s8 =	simm.s32 @!p0 $0x3;
	[sflag:s22] =	ssyncadd.s32 $0xFFFFFE80  }
0x32: {  	_ =	swait.ge @!p0 [sflag:s8], $0x3000  }
0x33: {  	s11 =	sadd.s32 $0x0, s14;
	s10 =	rddreg [dreg:$0x6];
	[sflag:s8] =	ssyncset.done @!p0 $0x0  }
0x34: {  	s15 =	rddreg [dreg:$0x7];
	[sflag:s8] =	ssyncadd.s32 @!p0 $0xFFFFD000;
	s10 =	sadd.s32 $0x0, s10  }
0x35: {  	[tilespmem:s15], [sflag:$0x1] =	stream.linear.gather [hbm4b:s10+s3], $0x180, $0x38;
	[tilespmem:$0x1F300] =	vst v63  }
0x36: {  	s12 =	sadd.s32 $0x60, s11  }
0x37: {  	[tilespmem:s23], [sflag:$0x1] =	stream.linear.gather [hbm4b:s12+s3], $0x180, $0x38;
	[tilespmem:$0x1F300] =	vst v63  }
0x38: {  	_ = 	snop  }
0x39: {  	[tilespmem:s25], [sflag:$0x5] =	stream.indirect.gather [hbm4b:s4+s24], $0x20, s18, s24, $0xb8;
	[tilespmem:$0x1F300] =	vst v63  }
0x3a: {  	_ =	swait.ge [sflag:s26], $0x180  }
0x3b: {  	[sflag:s26] =	ssyncset.done $0x0  }
0x3c: {  	[sflag:s26] =	ssyncadd.s32 $0xFFFFFE80  }
0x3d: {  	_ =	swait.ge [sflag:s26], $0x180  }
0x3e: {  	[sflag:s26] =	ssyncset.done $0x0  }
0x3f: {  	s10 =	simm.s32 @!p0 $0x4;
	[sflag:s26] =	ssyncadd.s32 $0xFFFFFE80  }
0x40: {  	_ =	swait.ge @!p0 [sflag:s10], $0x3000  }
0x41: {  	s13 =	rddreg [dreg:$0x5];
	[sflag:s10] =	ssyncset.done @!p0 $0x0  }
0x42: {  	[sflag:s10] =	ssyncadd.s32 @!p0 $0xFFFFD000;
	s16 =	sadd.s32 $0x0, s13  }
0x43: {  	[tilespmem:s28], [sflag:$0x2] =	stream.linear.gather [hbm4b:s16+s3], $0x180, $0x38;
	[tilespmem:$0x1F300] =	vst v63  }
0x44: {  	s8 =	sadd.s32 $0x90, s11  }
0x45: {  	[tilespmem:s29], [sflag:$0x2] =	stream.linear.gather [hbm4b:s8+s3], $0x180, $0x38;
	[tilespmem:$0x1F300] =	vst v63  }
0x46: {  	_ = 	snop  }
0x47: {  	[tilespmem:s30], [sflag:$0x5] =	stream.indirect.gather [hbm4b:s4+s24], $0x20, s20, s24, $0xb8;
	[tilespmem:$0x1F300] =	vst v63  }
0x48: {  	_ =	swait.ge [sflag:s31], $0x3000  }
0x49: {  	[sflag:s31] =	ssyncset.done $0x0  }
0x4a: {  	[sflag:s31] =	ssyncadd.s32 $0xFFFFD000  }
0x4b: {  	[spmem:s2] =	stream.indirect.scatter.add.f32 [tilespmem:s25], [sflag:$0x3], $0x20, s19, s24, $0xb8;
	[tilespmem:$0x1F300] =	vst v63  }
0x4c: {  	_ =	swait.ge [sflag:s31], $0x3000  }
0x4d: {  	[sflag:s31] =	ssyncset.done $0x0  }
0x4e: {  	[sflag:s31] =	ssyncadd.s32 $0xFFFFD000  }
0x4f: {  	[spmem:s2] =	stream.indirect.scatter.add.f32 [tilespmem:s30], [sflag:$0x4], $0x20, s21, s24, $0xb8;
	[tilespmem:$0x1F300] =	vst v63  }
0x50: {  	_ =	swait.ge [sflag:s22], $0x180  }
0x51: {  	[sflag:s22] =	ssyncset.done $0x0  }
0x52: {  	[sflag:s22] =	ssyncadd.s32 $0xFFFFFE80  }
0x53: {  	_ =	swait.ge [sflag:s22], $0x180  }
0x54: {  	[sflag:s22] =	ssyncset.done $0x0  }
0x55: {  	[sflag:s22] =	ssyncadd.s32 $0xFFFFFE80  }
0x56: {  	p0 =	por $0x0, $0x0;
	_ =	swait.ge [sflag:s0], $0x3000  }
0x57: {  	s10 =	simm.s32 @p0 $0x18A00;
	s15 =	simm.s32 @p0 $0x19300;
	[sflag:s0] =	ssyncset.done $0x0  }
0x58: {  	s11 =	simm.s32 @p0 $0x2;
	s8 =	simm.s32 @p0 $0x180;
	[sflag:s0] =	ssyncadd.s32 $0xFFFFD000  }
0x59: {  	[tilespmem:s15], [sflag:$0x5] =	stream.indirect.gather @p0 [hbm4b:s4+s8], $0x20, s10, s8, $0xb8;
	[tilespmem:$0x1F300] =	vst v63  }
0x5a: {  	_ =	swait.ge @p0 [sflag:s11], $0x180  }
0x5b: {  	[sflag:s11] =	ssyncset.done @p0 $0x0  }
0x5c: {  	[sflag:s11] =	ssyncadd.s32 @p0 $0xFFFFFE80  }
0x5d: {  	_ =	swait.ge @p0 [sflag:s11], $0x180  }
0x5e: {  	[sflag:s11] =	ssyncset.done @p0 $0x0  }
0x5f: {  	s8 =	simm.s32 @p0 $0x4;
	[sflag:s11] =	ssyncadd.s32 @p0 $0xFFFFFE80  }
0x60: {  	s12 =	simm.s32 @!p0 $0x18700;
	s1 =	rddreg [dreg:$0x10];
	_ =	swait.ge @p0 [sflag:s8], $0x3000  }
0x61: {  	s15 =	simm.s32 @!p0 $0x0;
	s10 =	sshrl.u32 @!p0 s1, $0x3;
	[sflag:s8] =	ssyncset.done @p0 $0x0  }
0x62: {  	s11 =	sadd.s32 @!p0 $0x0, s14;
	s10 =	sadd.s32 @!p0 s5, s10;
	[sflag:s8] =	ssyncadd.s32 @p0 $0xFFFFD000  }
0x63: {  	[tilespmem:s12], [sflag:$0x1] =	stream.linear.gather @!p0 [hbm4b:s10+s15], $0x180, $0x38;
	[tilespmem:$0x1F300] =	vst v63  }
0x64: {  	s8 =	sadd.s32 @!p0 $0xC0, s11;
	s10 =	simm.s32 @!p0 $0x18D00  }
0x65: {  	[tilespmem:s10], [sflag:$0x1] =	stream.linear.gather @!p0 [hbm4b:s8+s15], $0x180, $0x38;
	[tilespmem:$0x1F300] =	vst v63  }
0x66: {  	s12 =	simm.s32 @!p0 $0x19300;
	s8 =	simm.s32 @!p0 $0x180;
	s10 =	simm.s32 @!p0 $0x18A00  }
0x67: {  	[tilespmem:s12], [sflag:$0x5] =	stream.indirect.gather @!p0 [hbm4b:s4+s8], $0x20, s10, s8, $0xb8;
	[tilespmem:$0x1F300] =	vst v63  }
0x68: {  	s8 =	simm.s32 @!p0 $0x2  }
0x69: {  	_ =	swait.ge @!p0 [sflag:s8], $0x180  }
0x6a: {  	[sflag:s8] =	ssyncset.done @!p0 $0x0  }
0x6b: {  	[sflag:s8] =	ssyncadd.s32 @!p0 $0xFFFFFE80  }
0x6c: {  	_ =	swait.ge @!p0 [sflag:s8], $0x180  }
0x6d: {  	[sflag:s8] =	ssyncset.done @!p0 $0x0  }
0x6e: {  	s10 =	simm.s32 @!p0 $0x4;
	[sflag:s8] =	ssyncadd.s32 @!p0 $0xFFFFFE80  }
0x6f: {  	_ =	swait.ge @!p0 [sflag:s10], $0x3000  }
0x70: {  	s8 =	rddreg [dreg:$0x4];
	[sflag:s10] =	ssyncset.done @!p0 $0x0  }
0x71: {  	[sflag:s10] =	ssyncadd.s32 @!p0 $0xFFFFD000;
	s10 =	simm.s32 @!p0 $0x18880;
	s8 =	sadd.s32 @!p0 $0x0, s8  }
0x72: {  	[tilespmem:s10], [sflag:$0x2] =	stream.linear.gather @!p0 [hbm4b:s8+s15], $0x180, $0x38;
	[tilespmem:$0x1F300] =	vst v63  }
0x73: {  	s8 =	sadd.s32 @!p0 $0xF0, s11;
	s10 =	simm.s32 @!p0 $0x18E80  }
0x74: {  	[tilespmem:s10], [sflag:$0x2] =	stream.linear.gather @!p0 [hbm4b:s8+s15], $0x180, $0x38;
	[tilespmem:$0x1F300] =	vst v63  }
0x75: {  	_ = 	snop  }
0x76: {  	[tilespmem:s30], [sflag:$0x5] =	stream.indirect.gather [hbm4b:s4+s24], $0x20, s28, s24, $0xb8;
	[tilespmem:$0x1F300] =	vst v63  }
0x77: {  	_ =	swait.ge [sflag:s31], $0x3000  }
0x78: {  	[sflag:s31] =	ssyncset.done $0x0  }
0x79: {  	[sflag:s31] =	ssyncadd.s32 $0xFFFFD000  }
0x7a: {  	[spmem:s2] =	stream.indirect.scatter.add.f32 [tilespmem:s25], [sflag:$0x3], $0x20, s23, s24, $0xb8;
	[tilespmem:$0x1F300] =	vst v63  }
0x7b: {  	_ =	swait.ge [sflag:s31], $0x3000  }
0x7c: {  	s8 =	simm.s32 $0xC0;
	s15 =	smov.u32 s1;
	[sflag:s31] =	ssyncset.done $0x0  }
.LBB2_2:
0x7d: {  	[sflag:s31] =	ssyncadd.s32 $0xFFFFD000  }
0x7e: {  	[spmem:s2] =	stream.indirect.scatter.add.f32 [tilespmem:s30], [sflag:$0x4], $0x20, s29, s24, $0xb8;
	[tilespmem:$0x1F300] =	vst v63  }
0x7f: {  	_ =	swait.ge [sflag:s22], $0x180  }
0x80: {  	[sflag:s22] =	ssyncset.done $0x0  }
0x81: {  	[sflag:s22] =	ssyncadd.s32 $0xFFFFFE80  }
0x82: {  	s10 =	smov.u32 s8;
	_ =	swait.ge [sflag:s22], $0x180  }
0x83: {  	p1 =	seq.s32 s10, $0x0;
	[sflag:s22] =	ssyncset.done $0x0  }
0x84: {  	s11 =	simm.s32 @!p1 $0x3;
	[sflag:s22] =	ssyncadd.s32 $0xFFFFFE80  }
0x85: {  	_ =	swait.ge @!p1 [sflag:s11], $0x3000  }
0x86: {  	s1 =	sadd.s32 s10, s14;
	s12 =	rddreg [dreg:$0x6];
	[sflag:s11] =	ssyncset.done @!p1 $0x0  }
0x87: {  	s13 =	rddreg [dreg:$0x7];
	[sflag:s11] =	ssyncadd.s32 @!p1 $0xFFFFD000;
	s12 =	sadd.s32 s10, s12  }
0x88: {  	[tilespmem:s13], [sflag:$0x1] =	stream.linear.gather [hbm4b:s12+s3], $0x180, $0x38;
	[tilespmem:$0x1F300] =	vst v63  }
0x89: {  	s7 =	sadd.s32 $0x60, s1  }
0x8a: {  	[tilespmem:s23], [sflag:$0x1] =	stream.linear.gather [hbm4b:s7+s3], $0x180, $0x38;
	[tilespmem:$0x1F300] =	vst v63  }
0x8b: {  	_ = 	snop  }
0x8c: {  	[tilespmem:s25], [sflag:$0x5] =	stream.indirect.gather [hbm4b:s4+s24], $0x20, s18, s24, $0xb8;
	[tilespmem:$0x1F300] =	vst v63  }
0x8d: {  	_ =	swait.ge [sflag:s26], $0x180  }
0x8e: {  	[sflag:s26] =	ssyncset.done $0x0  }
0x8f: {  	[sflag:s26] =	ssyncadd.s32 $0xFFFFFE80  }
0x90: {  	_ =	swait.ge [sflag:s26], $0x180  }
0x91: {  	[sflag:s26] =	ssyncset.done $0x0  }
0x92: {  	s12 =	simm.s32 @!p1 $0x4;
	[sflag:s26] =	ssyncadd.s32 $0xFFFFFE80  }
0x93: {  	_ =	swait.ge @!p1 [sflag:s12], $0x3000  }
0x94: {  	s9 =	rddreg [dreg:$0x5];
	[sflag:s12] =	ssyncset.done @!p1 $0x0  }
0x95: {  	[sflag:s12] =	ssyncadd.s32 @!p1 $0xFFFFD000;
	s16 =	sadd.s32 s10, s9  }
0x96: {  	[tilespmem:s28], [sflag:$0x2] =	stream.linear.gather [hbm4b:s16+s3], $0x180, $0x38;
	[tilespmem:$0x1F300] =	vst v63  }
0x97: {  	s11 =	sadd.s32 $0x90, s1  }
0x98: {  	[tilespmem:s29], [sflag:$0x2] =	stream.linear.gather [hbm4b:s11+s3], $0x180, $0x38;
	[tilespmem:$0x1F300] =	vst v63  }
0x99: {  	_ = 	snop  }
0x9a: {  	[tilespmem:s30], [sflag:$0x5] =	stream.indirect.gather [hbm4b:s4+s24], $0x20, s20, s24, $0xb8;
	[tilespmem:$0x1F300] =	vst v63  }
0x9b: {  	_ =	swait.ge [sflag:s31], $0x3000  }
0x9c: {  	[sflag:s31] =	ssyncset.done $0x0  }
0x9d: {  	[sflag:s31] =	ssyncadd.s32 $0xFFFFD000  }
0x9e: {  	[spmem:s2] =	stream.indirect.scatter.add.f32 [tilespmem:s25], [sflag:$0x3], $0x20, s19, s24, $0xb8;
	[tilespmem:$0x1F300] =	vst v63  }
0x9f: {  	_ =	swait.ge [sflag:s31], $0x3000  }
0xa0: {  	[sflag:s31] =	ssyncset.done $0x0  }
0xa1: {  	[sflag:s31] =	ssyncadd.s32 $0xFFFFD000  }
0xa2: {  	[spmem:s2] =	stream.indirect.scatter.add.f32 [tilespmem:s30], [sflag:$0x4], $0x20, s21, s24, $0xb8;
	[tilespmem:$0x1F300] =	vst v63  }
0xa3: {  	_ =	swait.ge [sflag:s22], $0x180  }
0xa4: {  	[sflag:s22] =	ssyncset.done $0x0  }
0xa5: {  	[sflag:s22] =	ssyncadd.s32 $0xFFFFFE80  }
0xa6: {  	_ =	swait.ge [sflag:s22], $0x180  }
0xa7: {  	[sflag:s22] =	ssyncset.done $0x0  }
0xa8: {  	[sflag:s22] =	ssyncadd.s32 $0xFFFFFE80  }
0xa9: {  	p1 =	seq.s32 s10, $0x1800;
	_ =	swait.ge [sflag:s0], $0x3000  }
0xaa: {  	s12 =	simm.s32 @p1 $0x18A00;
	s13 =	simm.s32 @p1 $0x19300;
	[sflag:s0] =	ssyncset.done $0x0  }
0xab: {  	s1 =	simm.s32 @p1 $0x2;
	s11 =	simm.s32 @p1 $0x180;
	[sflag:s0] =	ssyncadd.s32 $0xFFFFD000  }
0xac: {  	[tilespmem:s13], [sflag:$0x5] =	stream.indirect.gather @p1 [hbm4b:s4+s11], $0x20, s12, s11, $0xb8;
	[tilespmem:$0x1F300] =	vst v63  }
0xad: {  	_ =	swait.ge @p1 [sflag:s1], $0x180  }
0xae: {  	[sflag:s1] =	ssyncset.done @p1 $0x0  }
0xaf: {  	[sflag:s1] =	ssyncadd.s32 @p1 $0xFFFFFE80  }
0xb0: {  	_ =	swait.ge @p1 [sflag:s1], $0x180  }
0xb1: {  	[sflag:s1] =	ssyncset.done @p1 $0x0  }
0xb2: {  	s7 =	simm.s32 @p1 $0x4;
	[sflag:s1] =	ssyncadd.s32 @p1 $0xFFFFFE80  }
0xb3: {  	s15 =	sadd.s32 $0x600, s15;
	s9 =	simm.s32 @!p1 $0x18700;
	_ =	swait.ge @p1 [sflag:s7], $0x3000  }
0xb4: {  	s11 =	sshrl.u32 @!p1 s15, $0x3;
	s12 =	sadd.s32 @!p1 s10, s14;
	[sflag:s7] =	ssyncset.done @p1 $0x0  }
0xb5: {  	s11 =	sadd.s32 @!p1 s5, s11;
	s1 =	simm.s32 @!p1 $0x0;
	[sflag:s7] =	ssyncadd.s32 @p1 $0xFFFFD000  }
0xb6: {  	[tilespmem:s9], [sflag:$0x1] =	stream.linear.gather @!p1 [hbm4b:s11+s1], $0x180, $0x38;
	[tilespmem:$0x1F300] =	vst v63  }
0xb7: {  	s16 =	simm.s32 @!p1 $0x19300;
	s13 =	sadd.s32 @!p1 $0xC0, s12;
	s7 =	simm.s32 @!p1 $0x18D00  }
0xb8: {  	[tilespmem:s7], [sflag:$0x1] =	stream.linear.gather @!p1 [hbm4b:s13+s1], $0x180, $0x38;
	[tilespmem:$0x1F300] =	vst v63  }
0xb9: {  	s9 =	simm.s32 @!p1 $0x180;
	s11 =	simm.s32 @!p1 $0x18A00;
	s7 =	simm.s32 @!p1 $0x2  }
0xba: {  	[tilespmem:s16], [sflag:$0x5] =	stream.indirect.gather @!p1 [hbm4b:s4+s9], $0x20, s11, s9, $0xb8;
	[tilespmem:$0x1F300] =	vst v63  }
0xbb: {  	_ =	swait.ge @!p1 [sflag:s7], $0x180  }
0xbc: {  	[sflag:s7] =	ssyncset.done @!p1 $0x0  }
0xbd: {  	[sflag:s7] =	ssyncadd.s32 @!p1 $0xFFFFFE80  }
0xbe: {  	_ =	swait.ge @!p1 [sflag:s7], $0x180  }
0xbf: {  	[sflag:s7] =	ssyncset.done @!p1 $0x0  }
0xc0: {  	s9 =	simm.s32 @!p1 $0x4;
	[sflag:s7] =	ssyncadd.s32 @!p1 $0xFFFFFE80  }
0xc1: {  	_ =	swait.ge @!p1 [sflag:s9], $0x3000  }
0xc2: {  	s7 =	rddreg [dreg:$0x4];
	[sflag:s9] =	ssyncset.done @!p1 $0x0  }
0xc3: {  	[sflag:s9] =	ssyncadd.s32 @!p1 $0xFFFFD000;
	s9 =	simm.s32 @!p1 $0x18880;
	s7 =	sadd.s32 @!p1 s10, s7  }
0xc4: {  	[tilespmem:s9], [sflag:$0x2] =	stream.linear.gather @!p1 [hbm4b:s7+s1], $0x180, $0x38;
	[tilespmem:$0x1F300] =	vst v63  }
0xc5: {  	s12 =	sadd.s32 @!p1 $0xF0, s12;
	s10 =	simm.s32 @!p1 $0x18E80  }
0xc6: {  	[tilespmem:s10], [sflag:$0x2] =	stream.linear.gather @!p1 [hbm4b:s12+s1], $0x180, $0x38;
	[tilespmem:$0x1F300] =	vst v63  }
0xc7: {  	s8 =	sadd.s32 $0xC0, s8  }
0xc8: {  	[tilespmem:s30], [sflag:$0x5] =	stream.indirect.gather [hbm4b:s4+s24], $0x20, s28, s24, $0xb8;
	[tilespmem:$0x1F300] =	vst v63  }
0xc9: {  	p0 =	sne.s32 s8, $0x18C0;
	_ =	swait.ge [sflag:s31], $0x3000  }
.Ltmp0:
0xca: {  	[sflag:s31] =	ssyncset.done $0x0;
	(pc) =	sbr.rel @p0 .LBB2_2-.Ltmp0, $4  }
0xcb: {  	[sflag:s31] =	ssyncadd.s32 $0xFFFFD000  }
0xcc: {  	[spmem:s2] =	stream.indirect.scatter.add.f32 [tilespmem:s25], [sflag:$0x3], $0x20, s23, s24, $0xb8;
	[tilespmem:$0x1F300] =	vst v63  }
0xcd: {  	_ =	swait.ge [sflag:s31], $0x3000  }
0xce: {  	[sflag:s31] =	ssyncset.done $0x0  }
0xcf: {  	[sflag:s31] =	ssyncadd.s32 $0xFFFFD000  }
0xd0: {  	[spmem:s2] =	stream.indirect.scatter.add.f32 [tilespmem:s30], [sflag:$0x4], $0x20, s29, s24, $0xb8;
	[tilespmem:$0x1F300] =	vst v63  }
0xd1: {  	_ =	swait.ge [sflag:s0], $0x3000  }
0xd2: {  	[sflag:s0] =	ssyncset.done $0x0  }
0xd3: {  	s1 =	simm.s32 $0x4;
	[sflag:s0] =	ssyncadd.s32 $0xFFFFD000  }
0xd4: {  	_ =	swait.ge [sflag:s1], $0x3000  }
0xd5: {  	[sflag:s1] =	ssyncset.done $0x0  }
0xd6: {  	[sflag:s1] =	ssyncadd.s32 $0xFFFFD000  }
0xd7: {  	[bflag:$0x0] =	sbarrier.arrive $0xFFFF  }
0xd8: {  	s7 =	rddreg [dreg:$0x9]  }
0xd9: {  	s15 =	rddreg [dreg:$0xe]  }
0xda: {  	s8 =	rddreg [dreg:$0x11]  }
0xdb: {  	[hbm:s15], [sflag:s7] =	dma.local [spmem:s8], $0x30E0  }
0xdc: {  	_ =	swait.ge [sflag:s17], $0x30E0  }
0xdd: {  	s6 =	sadd.s32 $0x1, s6;
	s16 =	rddreg [dreg:$0xf]  }
0xde: {  	p0 =	sne.s32 s6, s16  }
.Ltmp1:
0xdf: {  	_ = 	snop;
	(pc) =	sbr.rel @p0 .LBB2_1-.Ltmp1, $3  }
0xe0: {  	_ =	sdelay $0x1  }
0xe1: {  	[sflag:s17] =	ssyncset.done $0x0  }
0xe2: {  	[sflag:s17] =	ssyncadd.s32 $0xFFFFCF20  }
0xe3: {  	_ =	sfence.sel $0x180000  }
0xe4: {  	[bflag:$0x0] =	sbarrier.arrive $0xFFFF  }
0xe5: {  	_ =	strace $0x9000004D  }
0xe6: {  	s0 =	stileid.u32;
	[bflag:$0x2] =	sbarrier.arrive $0xFFFF  }
0xe7: {  	p0 =	sne.s32 s0, $0x0;
	s0 =	rddreg [dreg:$0x3]  }
0xe8: {  	s0 =	sadd.s32 @!p0 $0x100000, s0  }
0xe9: {  	[sflag:s0] =	ssyncadd.tile.s32 @!p0 $0x1;
	_ =	shalt  }
.Lfunc_end2:
_tile_overlayer_lowered:
.L_overlay_start_2:
0xea: {  	(tag) =	ssettag $0x2  }
0xeb: {  	s0 =	rddreg [dreg:$0x0];
	s2 =	stileid.u32  }
0xec: {  	s1 =	rddreg [dreg:$0x1];
	p0 =	sne.s32 s2, $0x0  }
0xed: {  	s3 =	rddreg [dreg:$0x2];
	[bflag:$0x3] =	sbarrier.arrive $0xFFFF;
	s2 =	simm.s32 @!p0 $0x1C06  }
0xee: {  	[timem:s3], [sflag:s2] =	dma.local @!p0 [hbm:s0], s1  }
0xef: {  	s0 =	simm.s32 @!p0 $0x6  }
0xf0: {  	_ =	swait.ge @!p0 [sflag:s0], s1  }
0xf1: {  	s1 =	ssub.s32 @!p0 $0x0, s1;
	[sflag:s0] =	ssyncset.done @!p0 $0x0  }
0xf2: {  	[sflag:s0] =	ssyncadd.s32 @!p0 s1  }
0xf3: {  	[bflag:$0x3] =	sbarrier.arrive $0xFFFF  }
0xf4: {  	_ =	shalt  }

</sc_bundles>
